<compile_context>
chip_gen: v7x
topology: tpu7x:2x2x1
jax: 0.10.2.dev20260603
libtpu: 0.0.44.dev20260713+nightly
codegen_flags: <defaults>
</compile_context>

<pallas_src>
import functools

import jax
import jax.numpy as jnp
from jax import lax
from jax.experimental import pallas as pl
from jax.experimental.pallas import tpu as pltpu
from jax.experimental.pallas import tpu_sc as plsc

_F = 128
_H = 8
_U = _F // _H
_NMSG = 2
_G = 32
_NEG_MIN = jnp.finfo(jnp.float32).min


def _mm(a, b):
    return lax.dot_general(a, b, (((1,), (0,)), ((), ())),
                           preferred_element_type=jnp.float32)


def _sc_gather(table, ids):
    info = plsc.get_sparse_core_info()
    nw = info.num_cores * info.num_subcores
    n, d = ids.shape[0], table.shape[1]
    per_w = n // nw
    chunk = min(per_w, 512)
    mesh = plsc.VectorSubcoreMesh(core_axis_name="c", subcore_axis_name="s")

    @functools.partial(
        pl.kernel, mesh=mesh,
        out_type=jax.ShapeDtypeStruct((n, d), jnp.float32),
        scratch_types=[pltpu.VMEM((chunk,), jnp.int32),
                       pltpu.VMEM((chunk, d), jnp.float32),
                       pltpu.SemaphoreType.DMA])
    def k(table_hbm, ids_hbm, out_hbm, idx_v, rows_v, sem):
        wid = lax.axis_index("s") * info.num_cores + lax.axis_index("c")
        base = wid * per_w
        for c in range(per_w // chunk):
            off = base + c * chunk
            pltpu.sync_copy(ids_hbm.at[pl.ds(off, chunk)], idx_v)
            pltpu.async_copy(table_hbm.at[idx_v], rows_v, sem).wait()
            pltpu.sync_copy(rows_v, out_hbm.at[pl.ds(off, chunk)])

    return k(table, ids)


def _body(aid_ref, bid_ref, src_ref, dst_ref, astate_ref, bstate_ref, *rest):
    glob = rest[0:12]
    msg = rest[12:28]
    whead_ref, bhead_ref, out_ref = rest[28], rest[29], rest[30]

    aid = aid_ref[...]
    bid = bid_ref[...]
    g_, na = aid.shape
    nb = bid.shape[1]
    amask = (aid != 0).astype(jnp.float32)[:, :, None]
    bmask = (bid != 0).astype(jnp.float32)[:, :, None]

    atom = astate_ref[...]
    bond = bstate_ref[...]

    E = (lax.broadcasted_iota(jnp.int32, (_H, _F), 0) ==
         lax.broadcasted_iota(jnp.int32, (_H, _F), 1) // _U).astype(jnp.float32)

    def gupd(atom, bond, gstate, wq, bq, wv, bv):
        qa = (_mm(atom, wq) + bq).reshape(g_, na, _H)
        qb = (_mm(bond, wq) + bq).reshape(g_, nb, _H)
        m = jnp.maximum(jnp.max(qa, axis=1), jnp.max(qb, axis=1))
        ea = jnp.exp(qa - m[:, None, :]) * amask
        eb = jnp.exp(qb - m[:, None, :]) * bmask
        s = jnp.sum(ea, axis=1) + jnp.sum(eb, axis=1)
        aa = (ea / s[:, None, :]).reshape(g_ * na, _H)
        ab = (eb / s[:, None, :]).reshape(g_ * nb, _H)
        va = _mm(atom, wv) + bv
        vb = _mm(bond, wv) + bv
        wa = _mm(aa, E)
        wb = _mm(ab, E)
        rnd = lambda x: x.astype(jnp.bfloat16).astype(jnp.float32)
        ctx = (jnp.sum((rnd(wa) * rnd(va)).reshape(g_, na, _F), axis=1) +
               jnp.sum((rnd(wb) * rnd(vb)).reshape(g_, nb, _F), axis=1))
        return ctx if gstate is None else gstate + ctx

    def gw(j):
        return (glob[4 * j][...], glob[4 * j + 1][...],
                glob[4 * j + 2][...], glob[4 * j + 3][...])

    gstate = gupd(atom, bond, None, *gw(0))

    col = lax.broadcasted_iota(jnp.int32, (g_, nb, na), 2)
    psrc = (col == src_ref[...][:, :, None]).astype(jnp.float32)
    pdst = (col == dst_ref[...][:, :, None]).astype(jnp.float32)

    def _gather(p, x):
        r = lax.dot_general(p, x.reshape(g_, na, _F),
                            (((2,), (1,)), ((0,), (0,))),
                            preferred_element_type=jnp.float32)
        return r.reshape(g_ * nb, _F)

    for i in range(_NMSG):
        ew1, eb1, ew2, eb2, nw1, nb1, nw2, nb2 = (r[...] for r in
                                                  msg[8 * i:8 * i + 8])
        sa = _gather(psrc, atom)
        ta = _gather(pdst, atom)

        h = (_mm(bond, ew1[0:_F]) + _mm(sa, ew1[_F:2 * _F]) +
             _mm(ta, ew1[2 * _F:3 * _F]) + eb1)
        hg = _mm(gstate, ew1[3 * _F:4 * _F])
        h = jnp.maximum(h.reshape(g_, nb, 2 * _F) + hg[:, None, :], 0.0)
        bond = bond + _mm(h.reshape(g_ * nb, 2 * _F), ew2) + eb2

        h2 = _mm(sa, nw1[0:_F]) + _mm(bond, nw1[_F:2 * _F]) + nb1
        hg2 = _mm(gstate, nw1[2 * _F:3 * _F])
        h2 = jnp.maximum(h2.reshape(g_, nb, 2 * _F) + hg2[:, None, :], 0.0)
        msgs = _mm(h2.reshape(g_ * nb, 2 * _F), nw2) + nb2
        msgs = msgs.reshape(g_, nb, _F) * bmask
        mhi = msgs.astype(jnp.bfloat16).astype(jnp.float32)
        mlo = msgs - mhi
        agg = (lax.dot_general(pdst, mhi, (((1,), (1,)), ((0,), (0,))),
                               preferred_element_type=jnp.float32) +
               lax.dot_general(pdst, mlo, (((1,), (1,)), ((0,), (0,))),
                               preferred_element_type=jnp.float32))
        atom = atom + agg.reshape(g_ * na, _F)
        gstate = gupd(atom, bond, gstate, *gw(i + 1))

    out_ref[...] = _mm(gstate, whead_ref[...]) + bhead_ref[...]


def kernel(atom, bond, connectivity, params):
    b, a, na = atom.shape
    nb = bond.shape[2]
    bf = b * a
    aid = atom.reshape(bf, na)
    bid = bond.reshape(bf, nb)
    conn = connectivity.reshape(bf, nb, 2)
    src = conn[:, :, 1]
    dst = conn[:, :, 0]

    p = params
    table = jnp.concatenate([
        jnp.zeros((_F, _F), jnp.float32).at[:p['atom_emb'].shape[0]].set(
            p['atom_emb']),
        p['bond_emb']], axis=0)
    ids_all = jnp.concatenate([aid.reshape(-1), bid.reshape(-1) + _F])
    states = _sc_gather(table, ids_all)

    args = [aid, bid, src, dst, states, states]
    for j in range(_NMSG + 1):
        gp = p['glob'][j]
        args += [gp['Wq'], gp['bq'].reshape(1, -1),
                 gp['Wv'], gp['bv'].reshape(1, -1)]
    for i in range(_NMSG):
        ep, npr = p['edge'][i], p['node'][i]
        args += [ep['W1'], ep['b1'].reshape(1, -1),
                 ep['W2'], ep['b2'].reshape(1, -1),
                 npr['W1'], npr['b1'].reshape(1, -1),
                 npr['W2'], npr['b2'].reshape(1, -1)]
    whead = jnp.concatenate([p['Wval'], p['Wpi']], axis=1)
    bhead = jnp.concatenate([p['bval'], p['bpi']]).reshape(1, 2)
    args += [whead, bhead]

    grid = (bf // _G,)
    nblk = bf // _G
    id_spec = pl.BlockSpec((_G, na), lambda i: (i, 0))
    astate_spec = pl.BlockSpec((_G * na, _F), lambda i: (i, 0))
    bstate_spec = pl.BlockSpec((_G * nb, _F), lambda i: (i + nblk, 0))
    w_specs = [pl.BlockSpec(w.shape, lambda i: tuple(0 for _ in w.shape))
               for w in args[6:]]
    logits = pl.pallas_call(
        _body,
        grid=grid,
        in_specs=[id_spec, id_spec, id_spec, id_spec,
                  astate_spec, bstate_spec] + w_specs,
        out_specs=pl.BlockSpec((_G, 2), lambda i: (i, 0)),
        out_shape=jax.ShapeDtypeStruct((bf, 2), jnp.float32),
        compiler_params=pltpu.CompilerParams(
            dimension_semantics=("arbitrary",)),
    )(*args)

    value_preds = logits[:, 0].reshape(b, a)[:, 0]
    action_mask = jnp.any(atom != 0, axis=-1)
    prior = logits[:, 1].reshape(b, a)
    masked_prior = jnp.where(action_mask, prior, _NEG_MIN)[:, 1:]
    return value_preds, masked_prior

# --- scband reference (transcript-rebuilt; emitter-appended) ---
"""Pipeline reference for scband-policy-wrapper-50680614093182 (READ-ONLY COPY).

The authoritative reference and input builder live on the scoring server;
editing this copy changes nothing except your own understanding.
"""

import jax, jax.numpy as jnp
import numpy as np

B, A, N_ATOMS, N_BONDS = 8, 32, 64, 64
ATOM_CLASSES, BOND_CLASSES = 100, 20
FEATURES, NUM_HEADS, NUM_MESSAGES = 128, 8, 2
UNITS = FEATURES // NUM_HEADS
NEG_MIN = jnp.finfo(jnp.float32).min


def _init_params(key):
    keys = jax.random.split(key, 40)
    it = iter(range(40))

    def nrm(shape, s=0.05):
        return jax.random.normal(keys[next(it)], shape, dtype=jnp.float32) * s

    def zeros(shape):
        return jnp.zeros(shape, jnp.float32)

    params = {
        'atom_emb': nrm((ATOM_CLASSES, FEATURES)),
        'bond_emb': nrm((BOND_CLASSES, FEATURES)),
        'glob': [], 'edge': [], 'node': [],
        'Wval': nrm((FEATURES, 1)), 'bval': zeros((1,)),
        'Wpi': nrm((FEATURES, 1)), 'bpi': zeros((1,)),
    }
    for _ in range(NUM_MESSAGES + 1):
        params['glob'].append({'Wq': nrm((FEATURES, NUM_HEADS)), 'bq': zeros((NUM_HEADS,)),
                               'Wv': nrm((FEATURES, FEATURES)), 'bv': zeros((FEATURES,))})
    for _ in range(NUM_MESSAGES):
        params['edge'].append({'W1': nrm((4 * FEATURES, 2 * FEATURES)), 'b1': zeros((2 * FEATURES,)),
                               'W2': nrm((2 * FEATURES, FEATURES)), 'b2': zeros((FEATURES,))})
        params['node'].append({'W1': nrm((3 * FEATURES, 2 * FEATURES)), 'b1': zeros((2 * FEATURES,)),
                               'W2': nrm((2 * FEATURES, FEATURES)), 'b2': zeros((FEATURES,))})
    return params


def setup_inputs(seed: int = 0):
    key = jax.random.key(seed)
    k1, k2, k3, kp = jax.random.split(key, 4)
    atom = jax.random.randint(k1, (B, A, N_ATOMS), 0, ATOM_CLASSES, dtype=jnp.int32)
    bond = jax.random.randint(k2, (B, A, N_BONDS), 0, BOND_CLASSES, dtype=jnp.int32)
    connectivity = jax.random.randint(k3, (B, A, N_BONDS, 2), 0, N_ATOMS, dtype=jnp.int32)
    params = _init_params(kp)
    return {'atom': atom, 'bond': bond, 'connectivity': connectivity, 'params': params}


def _forward(params, atom, bond, connectivity):
    b, a, n_atoms = atom.shape
    n_bonds = bond.shape[2]
    BF = b * a
    atom_f = atom.reshape(BF, n_atoms)
    bond_f = bond.reshape(BF, n_bonds)
    conn_f = connectivity.reshape(BF, n_bonds, 2)

    atom_mask = atom_f != 0
    bond_mask = bond_f != 0
    gmask = jnp.concatenate([atom_mask, bond_mask], axis=1)

    atom_state = jnp.take(params['atom_emb'], atom_f, axis=0)
    bond_state = jnp.take(params['bond_emb'], bond_f, axis=0)

    def global_update(a_s, b_s, g_s, gp):
        ge = jnp.concatenate([a_s, b_s], axis=1)
        query = ge @ gp['Wq'] + gp['bq']
        query = jnp.where(gmask[..., None], query, NEG_MIN)
        query = jnp.transpose(query, (0, 2, 1))
        value = (ge @ gp['Wv'] + gp['bv']).reshape(BF, n_atoms + n_bonds, NUM_HEADS, UNITS).transpose(0, 2, 1, 3)
        attn = jax.nn.softmax(query, axis=-1)
        ctx = jnp.einsum('bhn,bhnu->bhu', attn, value).reshape(BF, NUM_HEADS * UNITS)
        return ctx if g_s is None else g_s + ctx

    def concat_dense(ts, cp):
        x = jnp.concatenate(ts, axis=-1)
        return jax.nn.relu(x @ cp['W1'] + cp['b1']) @ cp['W2'] + cp['b2']

    global_state = global_update(atom_state, bond_state, None, params['glob'][0])

    src_idx = conn_f[:, :, 1]
    dst_idx = conn_f[:, :, 0]
    offsets = jnp.arange(BF, dtype=dst_idx.dtype)[:, None] * n_atoms
    seg_flat = (dst_idx + offsets).reshape(-1)

    for i in range(NUM_MESSAGES):
        source_atom = jnp.take_along_axis(atom_state, src_idx[..., None], axis=1)
        target_atom = jnp.take_along_axis(atom_state, dst_idx[..., None], axis=1)
        g_tiled = jnp.broadcast_to(global_state[:, None, :], (BF, n_bonds, FEATURES))
        new_bond = concat_dense([bond_state, source_atom, target_atom, g_tiled], params['edge'][i])
        bond_state = bond_state + new_bond

        source_atom2 = jnp.take_along_axis(atom_state, src_idx[..., None], axis=1)
        messages = concat_dense([source_atom2, bond_state, g_tiled], params['node'][i])
        messages = jnp.where(bond_mask[..., None], messages, 0.0)
        agg = jax.ops.segment_sum(messages.reshape(-1, FEATURES), seg_flat, num_segments=BF * n_atoms)
        atom_state = atom_state + agg.reshape(BF, n_atoms, FEATURES)

        global_state = global_update(atom_state, bond_state, global_state, params['glob'][i + 1])

    value_logit = global_state @ params['Wval'] + params['bval']
    pi_logit = global_state @ params['Wpi'] + params['bpi']

    value_preds = value_logit.reshape(b, a, -1)[:, 0, 0]
    action_mask = jnp.any(atom != 0, axis=-1)
    prior_logits = pi_logit.reshape(b, a)
    masked_prior_logits = jnp.where(action_mask, prior_logits, NEG_MIN)[:, 1:]
    return value_preds, masked_prior_logits


def reference(atom, bond, connectivity, params):
    return _forward(params, atom, bond, connectivity)

if __name__ == "__main__":
    import jax
    _d = setup_inputs()
    print(jax.jit(kernel)(*tuple(_d.values())))

</pallas_src>

<mosaic_0001>
#map = affine_map<(d0, d1) -> (0, 0)>
#map1 = affine_map<(d0, d1) -> (0)>
module attributes {stable_mosaic.version = 14 : i64} {
  func.func @k(%arg0: i32, %arg1: i32, %arg2: memref<148x128xf32, #tpu.memory_space<hbm>>, %arg3: memref<32768xi32, #tpu.memory_space<hbm>>, %arg4: memref<32768x128xf32, #tpu.memory_space<hbm>>, %arg5: memref<512xi32, #tpu.memory_space<vmem>>, %arg6: memref<512x128xf32, #tpu.memory_space<vmem>>, %arg7: memref<!tpu.dma_semaphore, #tpu.memory_space<semaphore_mem>>) attributes {dimension_semantics = [#tpu.dimension_semantics<core_parallel>, #tpu.dimension_semantics<subcore_parallel>], iteration_bounds = array<i64: 2, 16>, scalar_prefetch = 0 : i64, scratch_operands = 3 : i64, tpu.core_type = #tpu.core_type<sc_vector_subcore>, window_params = [{transform_indices = #map}, {transform_indices = #map1}, {transform_indices = #map}]} {
    %mul3A = arith.constant 2 : i32
    %mul3A_0 = arith.muli %arg1, %mul3A : i32
    %add3A = arith.addi %mul3A_0, %arg0 : i32
    %mul3A_1 = arith.constant 1024 : i32
    %mul3A_2 = arith.muli %add3A, %mul3A_1 : i32
    %add3A_3 = arith.constant 0 : i32
    %add3A_4 = arith.addi %mul3A_2, %add3A_3 : i32
    "tpu.region"() ({
      %run_scoped3A = tpu.sem_alloc : memref<!tpu.dma_semaphore, #tpu.memory_space<semaphore_mem>>
      %dma_start3A_17 = tpu.memref_slice %arg3[%add3A_4] : memref<32768xi32, #tpu.memory_space<hbm>> -> memref<512xi32, #tpu.memory_space<hbm>>
      %dma_start3A_18 = tpu.memref_slice %arg3[%add3A_4] : memref<32768xi32, #tpu.memory_space<hbm>> -> memref<512xi32, #tpu.memory_space<hbm>>
      tpu.enqueue_dma source(%dma_start3A_18 : memref<512xi32, #tpu.memory_space<hbm>>) target(%arg5 : memref<512xi32, #tpu.memory_space<vmem>>) target_semaphore(%run_scoped3A : memref<!tpu.dma_semaphore, #tpu.memory_space<semaphore_mem>>)
      %dma_wait3A_19 = tpu.memref_slice %arg3[%add3A_4] : memref<32768xi32, #tpu.memory_space<hbm>> -> memref<512xi32, #tpu.memory_space<hbm>>
      %dma_wait3A_20 = tpu.memref_slice %arg3[%add3A_4] : memref<32768xi32, #tpu.memory_space<hbm>> -> memref<512xi32, #tpu.memory_space<hbm>>
      tpu.wait_dma2 semaphore(%run_scoped3A : memref<!tpu.dma_semaphore, #tpu.memory_space<semaphore_mem>>) src(%dma_wait3A_20 : memref<512xi32, #tpu.memory_space<hbm>>) dst(%arg5 : memref<512xi32, #tpu.memory_space<vmem>>)
      tpu.yield
    }) : () -> ()
    %dma_start3A = arith.constant 0 : i32
    %dma_start3A_5 = arith.constant 0 : i32
    %dma_start3A_6 = tpu.memref_slice %arg2[%dma_start3A, %dma_start3A_5] : memref<148x128xf32, #tpu.memory_space<hbm>> -> memref<148x128xf32, #tpu.memory_space<hbm>>
    tpu.enqueue_indirect_dma source(%dma_start3A_6 : memref<148x128xf32, #tpu.memory_space<hbm>>) target(%arg6 : memref<512x128xf32, #tpu.memory_space<vmem>>) offsets(%arg5 : memref<512xi32, #tpu.memory_space<vmem>>) semaphore(%arg7 : memref<!tpu.dma_semaphore, #tpu.memory_space<semaphore_mem>>)
    %dma_wait3A = arith.constant 0 : i32
    %dma_wait3A_7 = arith.constant 0 : i32
    %dma_wait3A_8 = tpu.memref_slice %arg2[%dma_wait3A, %dma_wait3A_7] : memref<148x128xf32, #tpu.memory_space<hbm>> -> memref<148x128xf32, #tpu.memory_space<hbm>>
    tpu.wait_indirect_dma semaphore(%arg7 : memref<!tpu.dma_semaphore, #tpu.memory_space<semaphore_mem>>) src(%dma_wait3A_8 : memref<148x128xf32, #tpu.memory_space<hbm>>) dst(%arg6 : memref<512x128xf32, #tpu.memory_space<vmem>>)
    "tpu.region"() ({
      %run_scoped3A = tpu.sem_alloc : memref<!tpu.dma_semaphore, #tpu.memory_space<semaphore_mem>>
      %dma_start3A_17 = arith.constant 0 : i32
      %dma_start3A_18 = tpu.memref_slice %arg4[%add3A_4, %dma_start3A_17] : memref<32768x128xf32, #tpu.memory_space<hbm>> -> memref<512x128xf32, #tpu.memory_space<hbm>>
      %dma_start3A_19 = arith.constant 0 : i32
      %dma_start3A_20 = tpu.memref_slice %arg4[%add3A_4, %dma_start3A_19] : memref<32768x128xf32, #tpu.memory_space<hbm>> -> memref<512x128xf32, #tpu.memory_space<hbm>>
      tpu.enqueue_dma source(%arg6 : memref<512x128xf32, #tpu.memory_space<vmem>>) target(%dma_start3A_20 : memref<512x128xf32, #tpu.memory_space<hbm>>) target_semaphore(%run_scoped3A : memref<!tpu.dma_semaphore, #tpu.memory_space<semaphore_mem>>)
      %dma_wait3A_21 = arith.constant 0 : i32
      %dma_wait3A_22 = tpu.memref_slice %arg4[%add3A_4, %dma_wait3A_21] : memref<32768x128xf32, #tpu.memory_space<hbm>> -> memref<512x128xf32, #tpu.memory_space<hbm>>
      %dma_wait3A_23 = arith.constant 0 : i32
      %dma_wait3A_24 = tpu.memref_slice %arg4[%add3A_4, %dma_wait3A_23] : memref<32768x128xf32, #tpu.memory_space<hbm>> -> memref<512x128xf32, #tpu.memory_space<hbm>>
      tpu.wait_dma2 semaphore(%run_scoped3A : memref<!tpu.dma_semaphore, #tpu.memory_space<semaphore_mem>>) src(%arg6 : memref<512x128xf32, #tpu.memory_space<vmem>>) dst(%dma_wait3A_24 : memref<512x128xf32, #tpu.memory_space<hbm>>)
      tpu.yield
    }) : () -> ()
    %add3A_9 = arith.constant 512 : i32
    %add3A_10 = arith.addi %mul3A_2, %add3A_9 : i32
    "tpu.region"() ({
      %run_scoped3A = tpu.sem_alloc : memref<!tpu.dma_semaphore, #tpu.memory_space<semaphore_mem>>
      %dma_start3A_17 = tpu.memref_slice %arg3[%add3A_10] : memref<32768xi32, #tpu.memory_space<hbm>> -> memref<512xi32, #tpu.memory_space<hbm>>
      %dma_start3A_18 = tpu.memref_slice %arg3[%add3A_10] : memref<32768xi32, #tpu.memory_space<hbm>> -> memref<512xi32, #tpu.memory_space<hbm>>
      tpu.enqueue_dma source(%dma_start3A_18 : memref<512xi32, #tpu.memory_space<hbm>>) target(%arg5 : memref<512xi32, #tpu.memory_space<vmem>>) target_semaphore(%run_scoped3A : memref<!tpu.dma_semaphore, #tpu.memory_space<semaphore_mem>>)
      %dma_wait3A_19 = tpu.memref_slice %arg3[%add3A_10] : memref<32768xi32, #tpu.memory_space<hbm>> -> memref<512xi32, #tpu.memory_space<hbm>>
      %dma_wait3A_20 = tpu.memref_slice %arg3[%add3A_10] : memref<32768xi32, #tpu.memory_space<hbm>> -> memref<512xi32, #tpu.memory_space<hbm>>
      tpu.wait_dma2 semaphore(%run_scoped3A : memref<!tpu.dma_semaphore, #tpu.memory_space<semaphore_mem>>) src(%dma_wait3A_20 : memref<512xi32, #tpu.memory_space<hbm>>) dst(%arg5 : memref<512xi32, #tpu.memory_space<vmem>>)
      tpu.yield
    }) : () -> ()
    %dma_start3A_11 = arith.constant 0 : i32
    %dma_start3A_12 = arith.constant 0 : i32
    %dma_start3A_13 = tpu.memref_slice %arg2[%dma_start3A_11, %dma_start3A_12] : memref<148x128xf32, #tpu.memory_space<hbm>> -> memref<148x128xf32, #tpu.memory_space<hbm>>
    tpu.enqueue_indirect_dma source(%dma_start3A_13 : memref<148x128xf32, #tpu.memory_space<hbm>>) target(%arg6 : memref<512x128xf32, #tpu.memory_space<vmem>>) offsets(%arg5 : memref<512xi32, #tpu.memory_space<vmem>>) semaphore(%arg7 : memref<!tpu.dma_semaphore, #tpu.memory_space<semaphore_mem>>)
    %dma_wait3A_14 = arith.constant 0 : i32
    %dma_wait3A_15 = arith.constant 0 : i32
    %dma_wait3A_16 = tpu.memref_slice %arg2[%dma_wait3A_14, %dma_wait3A_15] : memref<148x128xf32, #tpu.memory_space<hbm>> -> memref<148x128xf32, #tpu.memory_space<hbm>>
    tpu.wait_indirect_dma semaphore(%arg7 : memref<!tpu.dma_semaphore, #tpu.memory_space<semaphore_mem>>) src(%dma_wait3A_16 : memref<148x128xf32, #tpu.memory_space<hbm>>) dst(%arg6 : memref<512x128xf32, #tpu.memory_space<vmem>>)
    "tpu.region"() ({
      %run_scoped3A = tpu.sem_alloc : memref<!tpu.dma_semaphore, #tpu.memory_space<semaphore_mem>>
      %dma_start3A_17 = arith.constant 0 : i32
      %dma_start3A_18 = tpu.memref_slice %arg4[%add3A_10, %dma_start3A_17] : memref<32768x128xf32, #tpu.memory_space<hbm>> -> memref<512x128xf32, #tpu.memory_space<hbm>>
      %dma_start3A_19 = arith.constant 0 : i32
      %dma_start3A_20 = tpu.memref_slice %arg4[%add3A_10, %dma_start3A_19] : memref<32768x128xf32, #tpu.memory_space<hbm>> -> memref<512x128xf32, #tpu.memory_space<hbm>>
      tpu.enqueue_dma source(%arg6 : memref<512x128xf32, #tpu.memory_space<vmem>>) target(%dma_start3A_20 : memref<512x128xf32, #tpu.memory_space<hbm>>) target_semaphore(%run_scoped3A : memref<!tpu.dma_semaphore, #tpu.memory_space<semaphore_mem>>)
      %dma_wait3A_21 = arith.constant 0 : i32
      %dma_wait3A_22 = tpu.memref_slice %arg4[%add3A_10, %dma_wait3A_21] : memref<32768x128xf32, #tpu.memory_space<hbm>> -> memref<512x128xf32, #tpu.memory_space<hbm>>
      %dma_wait3A_23 = arith.constant 0 : i32
      %dma_wait3A_24 = tpu.memref_slice %arg4[%add3A_10, %dma_wait3A_23] : memref<32768x128xf32, #tpu.memory_space<hbm>> -> memref<512x128xf32, #tpu.memory_space<hbm>>
      tpu.wait_dma2 semaphore(%run_scoped3A : memref<!tpu.dma_semaphore, #tpu.memory_space<semaphore_mem>>) src(%arg6 : memref<512x128xf32, #tpu.memory_space<vmem>>) dst(%dma_wait3A_24 : memref<512x128xf32, #tpu.memory_space<hbm>>)
      tpu.yield
    }) : () -> ()
    return
  }
}

module attributes {stable_mosaic.version = 14 : i64} {
  func.func @_body(%arg0: i32, %arg1: memref<32x64xi32, #tpu.memory_space<vmem>>, %arg2: memref<32x64xi32, #tpu.memory_space<vmem>>, %arg3: memref<32x64xi32, #tpu.memory_space<vmem>>, %arg4: memref<32x64xi32, #tpu.memory_space<vmem>>, %arg5: memref<2048x128xf32, #tpu.memory_space<vmem>>, %arg6: memref<2048x128xf32, #tpu.memory_space<vmem>>, %arg7: memref<128x8xf32, #tpu.memory_space<vmem>>, %arg8: memref<1x8xf32, #tpu.memory_space<vmem>>, %arg9: memref<128x128xf32, #tpu.memory_space<vmem>>, %arg10: memref<1x128xf32, #tpu.memory_space<vmem>>, %arg11: memref<128x8xf32, #tpu.memory_space<vmem>>, %arg12: memref<1x8xf32, #tpu.memory_space<vmem>>, %arg13: memref<128x128xf32, #tpu.memory_space<vmem>>, %arg14: memref<1x128xf32, #tpu.memory_space<vmem>>, %arg15: memref<128x8xf32, #tpu.memory_space<vmem>>, %arg16: memref<1x8xf32, #tpu.memory_space<vmem>>, %arg17: memref<128x128xf32, #tpu.memory_space<vmem>>, %arg18: memref<1x128xf32, #tpu.memory_space<vmem>>, %arg19: memref<512x256xf32, #tpu.memory_space<vmem>>, %arg20: memref<1x256xf32, #tpu.memory_space<vmem>>, %arg21: memref<256x128xf32, #tpu.memory_space<vmem>>, %arg22: memref<1x128xf32, #tpu.memory_space<vmem>>, %arg23: memref<384x256xf32, #tpu.memory_space<vmem>>, %arg24: memref<1x256xf32, #tpu.memory_space<vmem>>, %arg25: memref<256x128xf32, #tpu.memory_space<vmem>>, %arg26: memref<1x128xf32, #tpu.memory_space<vmem>>, %arg27: memref<512x256xf32, #tpu.memory_space<vmem>>, %arg28: memref<1x256xf32, #tpu.memory_space<vmem>>, %arg29: memref<256x128xf32, #tpu.memory_space<vmem>>, %arg30: memref<1x128xf32, #tpu.memory_space<vmem>>, %arg31: memref<384x256xf32, #tpu.memory_space<vmem>>, %arg32: memref<1x256xf32, #tpu.memory_space<vmem>>, %arg33: memref<256x128xf32, #tpu.memory_space<vmem>>, %arg34: memref<1x128xf32, #tpu.memory_space<vmem>>, %arg35: memref<128x2xf32, #tpu.memory_space<vmem>>, %arg36: memref<1x2xf32, #tpu.memory_space<vmem>>, %arg37: memref<32x2xf32, #tpu.memory_space<vmem>>) attributes {dimension_semantics = [#tpu.dimension_semantics<arbitrary>], iteration_bounds = array<i64: 8>, scalar_prefetch = 0 : i64, scratch_operands = 0 : i64, tpu.core_type = #tpu.core_type<tc>, window_params = [{transform_indices = @transform_0, window_bounds = array<i64: 32, 64>}, {transform_indices = @transform_1, window_bounds = array<i64: 32, 64>}, {transform_indices = @transform_2, window_bounds = array<i64: 32, 64>}, {transform_indices = @transform_3, window_bounds = array<i64: 32, 64>}, {transform_indices = @transform_4, window_bounds = array<i64: 2048, 128>}, {transform_indices = @transform_5, window_bounds = array<i64: 2048, 128>}, {pipeline_mode = #tpu.pipeline_mode<synchronous>, transform_indices = @transform_6, window_bounds = array<i64: 128, 8>}, {pipeline_mode = #tpu.pipeline_mode<synchronous>, transform_indices = @transform_7, window_bounds = array<i64: 1, 8>}, {pipeline_mode = #tpu.pipeline_mode<synchronous>, transform_indices = @transform_8, window_bounds = array<i64: 128, 128>}, {pipeline_mode = #tpu.pipeline_mode<synchronous>, transform_indices = @transform_9, window_bounds = array<i64: 1, 128>}, {pipeline_mode = #tpu.pipeline_mode<synchronous>, transform_indices = @transform_10, window_bounds = array<i64: 128, 8>}, {pipeline_mode = #tpu.pipeline_mode<synchronous>, transform_indices = @transform_11, window_bounds = array<i64: 1, 8>}, {pipeline_mode = #tpu.pipeline_mode<synchronous>, transform_indices = @transform_12, window_bounds = array<i64: 128, 128>}, {pipeline_mode = #tpu.pipeline_mode<synchronous>, transform_indices = @transform_13, window_bounds = array<i64: 1, 128>}, {pipeline_mode = #tpu.pipeline_mode<synchronous>, transform_indices = @transform_14, window_bounds = array<i64: 128, 8>}, {pipeline_mode = #tpu.pipeline_mode<synchronous>, transform_indices = @transform_15, window_bounds = array<i64: 1, 8>}, {pipeline_mode = #tpu.pipeline_mode<synchronous>, transform_indices = @transform_16, window_bounds = array<i64: 128, 128>}, {pipeline_mode = #tpu.pipeline_mode<synchronous>, transform_indices = @transform_17, window_bounds = array<i64: 1, 128>}, {pipeline_mode = #tpu.pipeline_mode<synchronous>, transform_indices = @transform_18, window_bounds = array<i64: 512, 256>}, {pipeline_mode = #tpu.pipeline_mode<synchronous>, transform_indices = @transform_19, window_bounds = array<i64: 1, 256>}, {pipeline_mode = #tpu.pipeline_mode<synchronous>, transform_indices = @transform_20, window_bounds = array<i64: 256, 128>}, {pipeline_mode = #tpu.pipeline_mode<synchronous>, transform_indices = @transform_21, window_bounds = array<i64: 1, 128>}, {pipeline_mode = #tpu.pipeline_mode<synchronous>, transform_indices = @transform_22, window_bounds = array<i64: 384, 256>}, {pipeline_mode = #tpu.pipeline_mode<synchronous>, transform_indices = @transform_23, window_bounds = array<i64: 1, 256>}, {pipeline_mode = #tpu.pipeline_mode<synchronous>, transform_indices = @transform_24, window_bounds = array<i64: 256, 128>}, {pipeline_mode = #tpu.pipeline_mode<synchronous>, transform_indices = @transform_25, window_bounds = array<i64: 1, 128>}, {pipeline_mode = #tpu.pipeline_mode<synchronous>, transform_indices = @transform_26, window_bounds = array<i64: 512, 256>}, {pipeline_mode = #tpu.pipeline_mode<synchronous>, transform_indices = @transform_27, window_bounds = array<i64: 1, 256>}, {pipeline_mode = #tpu.pipeline_mode<synchronous>, transform_indices = @transform_28, window_bounds = array<i64: 256, 128>}, {pipeline_mode = #tpu.pipeline_mode<synchronous>, transform_indices = @transform_29, window_bounds = array<i64: 1, 128>}, {pipeline_mode = #tpu.pipeline_mode<synchronous>, transform_indices = @transform_30, window_bounds = array<i64: 384, 256>}, {pipeline_mode = #tpu.pipeline_mode<synchronous>, transform_indices = @transform_31, window_bounds = array<i64: 1, 256>}, {pipeline_mode = #tpu.pipeline_mode<synchronous>, transform_indices = @transform_32, window_bounds = array<i64: 256, 128>}, {pipeline_mode = #tpu.pipeline_mode<synchronous>, transform_indices = @transform_33, window_bounds = array<i64: 1, 128>}, {pipeline_mode = #tpu.pipeline_mode<synchronous>, transform_indices = @transform_34, window_bounds = array<i64: 128, 2>}, {pipeline_mode = #tpu.pipeline_mode<synchronous>, transform_indices = @transform_35, window_bounds = array<i64: 1, 2>}, {transform_indices = @transform_36, window_bounds = array<i64: 32, 2>}]} {
    %get3A = arith.constant 0 : index
    %get3A_0 = arith.constant 0 : index
    %get3A_1 = vector.load %arg1[%get3A, %get3A_0] : memref<32x64xi32, #tpu.memory_space<vmem>>, vector<32x64xi32>
    %get3A_2 = arith.constant 0 : index
    %get3A_3 = arith.constant 0 : index
    %get3A_4 = vector.load %arg2[%get3A_2, %get3A_3] : memref<32x64xi32, #tpu.memory_space<vmem>>, vector<32x64xi32>
    %ne3A = arith.constant 0 : i32
    %ne3A_5 = vector.broadcast %ne3A : i32 to vector<32x64xi32>
    %ne3A_6 = arith.cmpi ne, %get3A_1, %ne3A_5 : vector<32x64xi32>
    %convert_element_type3A = arith.extui %ne3A_6 : vector<32x64xi1> to vector<32x64xi32>
    %convert_element_type3A_7 = arith.sitofp %convert_element_type3A : vector<32x64xi32> to vector<32x64xf32>
    %broadcast_in_dim3A = vector.shape_cast %convert_element_type3A_7 : vector<32x64xf32> to vector<32x64x1xf32>
    %ne3A_8 = arith.constant 0 : i32
    %ne3A_9 = vector.broadcast %ne3A_8 : i32 to vector<32x64xi32>
    %ne3A_10 = arith.cmpi ne, %get3A_4, %ne3A_9 : vector<32x64xi32>
    %convert_element_type3A_11 = arith.extui %ne3A_10 : vector<32x64xi1> to vector<32x64xi32>
    %convert_element_type3A_12 = arith.sitofp %convert_element_type3A_11 : vector<32x64xi32> to vector<32x64xf32>
    %broadcast_in_dim3A_13 = vector.shape_cast %convert_element_type3A_12 : vector<32x64xf32> to vector<32x64x1xf32>
    %get3A_14 = arith.constant 0 : index
    %get3A_15 = arith.constant 0 : index
    %get3A_16 = vector.load %arg5[%get3A_14, %get3A_15] : memref<2048x128xf32, #tpu.memory_space<vmem>>, vector<2048x128xf32>
    %get3A_17 = arith.constant 0 : index
    %get3A_18 = arith.constant 0 : index
    %get3A_19 = vector.load %arg6[%get3A_17, %get3A_18] : memref<2048x128xf32, #tpu.memory_space<vmem>>, vector<2048x128xf32>
    %iota3A = tpu.iota {dimensions = array<i32: 0>} : vector<8x128xi32>
    %iota3A_20 = tpu.iota {dimensions = array<i32: 1>} : vector<8x128xi32>
    %jit3A = arith.constant 16 : i32
    %div3A = vector.broadcast %jit3A : i32 to vector<8x128xi32>
    %div3A_21 = arith.divsi %iota3A_20, %div3A : vector<8x128xi32>
    %sign3A = arith.constant 0 : i32
    %sign3A_22 = vector.broadcast %sign3A : i32 to vector<8x128xi32>
    %sign3A_23 = arith.cmpi sgt, %iota3A_20, %sign3A_22 : vector<8x128xi32>
    %sign3A_24 = arith.extui %sign3A_23 : vector<8x128xi1> to vector<8x128xi32>
    %sign3A_25 = arith.constant 0 : i32
    %sign3A_26 = vector.broadcast %sign3A_25 : i32 to vector<8x128xi32>
    %sign3A_27 = arith.cmpi slt, %iota3A_20, %sign3A_26 : vector<8x128xi32>
    %sign3A_28 = arith.extui %sign3A_27 : vector<8x128xi1> to vector<8x128xi32>
    %sign3A_29 = arith.subi %sign3A_24, %sign3A_28 : vector<8x128xi32>
    %sign3A_30 = arith.constant 0 : i32
    %sign3A_31 = arith.cmpi sgt, %jit3A, %sign3A_30 : i32
    %sign3A_32 = arith.extui %sign3A_31 : i1 to i32
    %sign3A_33 = arith.constant 0 : i32
    %sign3A_34 = arith.cmpi slt, %jit3A, %sign3A_33 : i32
    %sign3A_35 = arith.extui %sign3A_34 : i1 to i32
    %sign3A_36 = arith.subi %sign3A_32, %sign3A_35 : i32
    %ne3A_37 = vector.broadcast %sign3A_36 : i32 to vector<8x128xi32>
    %ne3A_38 = arith.cmpi ne, %sign3A_29, %ne3A_37 : vector<8x128xi32>
    %rem3A = vector.broadcast %jit3A : i32 to vector<8x128xi32>
    %rem3A_39 = arith.remsi %iota3A_20, %rem3A : vector<8x128xi32>
    %ne3A_40 = arith.constant 0 : i32
    %ne3A_41 = vector.broadcast %ne3A_40 : i32 to vector<8x128xi32>
    %ne3A_42 = arith.cmpi ne, %rem3A_39, %ne3A_41 : vector<8x128xi32>
    %and3A = arith.andi %ne3A_38, %ne3A_42 : vector<8x128xi1>
    %sub3A = arith.constant 1 : i32
    %sub3A_43 = vector.broadcast %sub3A : i32 to vector<8x128xi32>
    %sub3A_44 = arith.subi %div3A_21, %sub3A_43 : vector<8x128xi32>
    %select_n3A = arith.select %and3A, %sub3A_44, %div3A_21 : vector<8x128xi1>, vector<8x128xi32>
    %eq3A = arith.cmpi eq, %iota3A, %select_n3A : vector<8x128xi32>
    %convert_element_type3A_45 = arith.extui %eq3A : vector<8x128xi1> to vector<8x128xi32>
    %convert_element_type3A_46 = arith.sitofp %convert_element_type3A_45 : vector<8x128xi32> to vector<8x128xf32>
    %get3A_47 = arith.constant 0 : index
    %get3A_48 = arith.constant 0 : index
    %get3A_49 = vector.load %arg7[%get3A_47, %get3A_48] : memref<128x8xf32, #tpu.memory_space<vmem>>, vector<128x8xf32>
    %get3A_50 = arith.constant 0 : index
    %get3A_51 = arith.constant 0 : index
    %get3A_52 = vector.load %arg8[%get3A_50, %get3A_51] : memref<1x8xf32, #tpu.memory_space<vmem>>, vector<1x8xf32>
    %get3A_53 = arith.constant 0 : index
    %get3A_54 = arith.constant 0 : index
    %get3A_55 = vector.load %arg9[%get3A_53, %get3A_54] : memref<128x128xf32, #tpu.memory_space<vmem>>, vector<128x128xf32>
    %get3A_56 = arith.constant 0 : index
    %get3A_57 = arith.constant 0 : index
    %get3A_58 = vector.load %arg10[%get3A_56, %get3A_57] : memref<1x128xf32, #tpu.memory_space<vmem>>, vector<1x128xf32>
    %dot_general3A = arith.constant dense<0.000000e+00> : vector<2048x8xf32>
    %dot_general3A_59 = tpu.matmul %get3A_16, %get3A_49, %dot_general3A {dimension_numbers = #tpu.dot_dimension_numbers<[1], [0], [0], [1], [0, 0, 1, 1], [], []>, transpose_lhs_hint = false} : vector<2048x128xf32>, vector<128x8xf32>, vector<2048x8xf32> -> vector<2048x8xf32>
    %add3A = vector.broadcast %get3A_52 : vector<1x8xf32> to vector<2048x8xf32>
    %add3A_60 = arith.addf %dot_general3A_59, %add3A : vector<2048x8xf32>
    %reshape3A = vector.shape_cast %add3A_60 : vector<2048x8xf32> to vector<32x64x8xf32>
    %dot_general3A_61 = arith.constant dense<0.000000e+00> : vector<2048x8xf32>
    %dot_general3A_62 = tpu.matmul %get3A_19, %get3A_49, %dot_general3A_61 {dimension_numbers = #tpu.dot_dimension_numbers<[1], [0], [0], [1], [0, 0, 1, 1], [], []>, transpose_lhs_hint = false} : vector<2048x128xf32>, vector<128x8xf32>, vector<2048x8xf32> -> vector<2048x8xf32>
    %add3A_63 = vector.broadcast %get3A_52 : vector<1x8xf32> to vector<2048x8xf32>
    %add3A_64 = arith.addf %dot_general3A_62, %add3A_63 : vector<2048x8xf32>
    %reshape3A_65 = vector.shape_cast %add3A_64 : vector<2048x8xf32> to vector<32x64x8xf32>
    %reduce_max3A = arith.constant dense<0xFF800000> : vector<32x8xf32>
    %reduce_max3A_66 = vector.multi_reduction <maximumf>, %reshape3A, %reduce_max3A [1] : vector<32x64x8xf32> to vector<32x8xf32>
    %reduce_max3A_67 = arith.constant dense<0xFF800000> : vector<32x8xf32>
    %reduce_max3A_68 = vector.multi_reduction <maximumf>, %reshape3A_65, %reduce_max3A_67 [1] : vector<32x64x8xf32> to vector<32x8xf32>
    %max3A = arith.maximumf %reduce_max3A_66, %reduce_max3A_68 : vector<32x8xf32>
    %broadcast_in_dim3A_69 = vector.shape_cast %max3A : vector<32x8xf32> to vector<32x1x8xf32>
    %sub3A_70 = vector.broadcast %broadcast_in_dim3A_69 : vector<32x1x8xf32> to vector<32x64x8xf32>
    %sub3A_71 = arith.subf %reshape3A, %sub3A_70 : vector<32x64x8xf32>
    %exp3A = math.exp %sub3A_71 : vector<32x64x8xf32>
    %mul3A = vector.broadcast %broadcast_in_dim3A : vector<32x64x1xf32> to vector<32x64x8xf32>
    %mul3A_72 = arith.mulf %exp3A, %mul3A : vector<32x64x8xf32>
    %broadcast_in_dim3A_73 = vector.shape_cast %max3A : vector<32x8xf32> to vector<32x1x8xf32>
    %sub3A_74 = vector.broadcast %broadcast_in_dim3A_73 : vector<32x1x8xf32> to vector<32x64x8xf32>
    %sub3A_75 = arith.subf %reshape3A_65, %sub3A_74 : vector<32x64x8xf32>
    %exp3A_76 = math.exp %sub3A_75 : vector<32x64x8xf32>
    %mul3A_77 = vector.broadcast %broadcast_in_dim3A_13 : vector<32x64x1xf32> to vector<32x64x8xf32>
    %mul3A_78 = arith.mulf %exp3A_76, %mul3A_77 : vector<32x64x8xf32>
    %reduce_sum3A = arith.constant dense<0.000000e+00> : vector<32x8xf32>
    %reduce_sum3A_79 = vector.multi_reduction <add>, %mul3A_72, %reduce_sum3A [1] : vector<32x64x8xf32> to vector<32x8xf32>
    %reduce_sum3A_80 = arith.constant dense<0.000000e+00> : vector<32x8xf32>
    %reduce_sum3A_81 = vector.multi_reduction <add>, %mul3A_78, %reduce_sum3A_80 [1] : vector<32x64x8xf32> to vector<32x8xf32>
    %add3A_82 = arith.addf %reduce_sum3A_79, %reduce_sum3A_81 : vector<32x8xf32>
    %broadcast_in_dim3A_83 = vector.shape_cast %add3A_82 : vector<32x8xf32> to vector<32x1x8xf32>
    %div3A_84 = vector.broadcast %broadcast_in_dim3A_83 : vector<32x1x8xf32> to vector<32x64x8xf32>
    %div3A_85 = arith.divf %mul3A_72, %div3A_84 : vector<32x64x8xf32>
    %reshape3A_86 = vector.shape_cast %div3A_85 : vector<32x64x8xf32> to vector<2048x8xf32>
    %broadcast_in_dim3A_87 = vector.shape_cast %add3A_82 : vector<32x8xf32> to vector<32x1x8xf32>
    %div3A_88 = vector.broadcast %broadcast_in_dim3A_87 : vector<32x1x8xf32> to vector<32x64x8xf32>
    %div3A_89 = arith.divf %mul3A_78, %div3A_88 : vector<32x64x8xf32>
    %reshape3A_90 = vector.shape_cast %div3A_89 : vector<32x64x8xf32> to vector<2048x8xf32>
    %dot_general3A_91 = arith.constant dense<0.000000e+00> : vector<2048x128xf32>
    %dot_general3A_92 = tpu.matmul %get3A_16, %get3A_55, %dot_general3A_91 {dimension_numbers = #tpu.dot_dimension_numbers<[1], [0], [0], [1], [0, 0, 1, 1], [], []>, transpose_lhs_hint = false} : vector<2048x128xf32>, vector<128x128xf32>, vector<2048x128xf32> -> vector<2048x128xf32>
    %add3A_93 = vector.broadcast %get3A_58 : vector<1x128xf32> to vector<2048x128xf32>
    %add3A_94 = arith.addf %dot_general3A_92, %add3A_93 : vector<2048x128xf32>
    %dot_general3A_95 = arith.constant dense<0.000000e+00> : vector<2048x128xf32>
    %dot_general3A_96 = tpu.matmul %get3A_19, %get3A_55, %dot_general3A_95 {dimension_numbers = #tpu.dot_dimension_numbers<[1], [0], [0], [1], [0, 0, 1, 1], [], []>, transpose_lhs_hint = false} : vector<2048x128xf32>, vector<128x128xf32>, vector<2048x128xf32> -> vector<2048x128xf32>
    %add3A_97 = vector.broadcast %get3A_58 : vector<1x128xf32> to vector<2048x128xf32>
    %add3A_98 = arith.addf %dot_general3A_96, %add3A_97 : vector<2048x128xf32>
    %dot_general3A_99 = arith.constant dense<0.000000e+00> : vector<2048x128xf32>
    %dot_general3A_100 = tpu.matmul %reshape3A_86, %convert_element_type3A_46, %dot_general3A_99 {dimension_numbers = #tpu.dot_dimension_numbers<[1], [0], [0], [1], [0, 0, 1, 1], [], []>, transpose_lhs_hint = false} : vector<2048x8xf32>, vector<8x128xf32>, vector<2048x128xf32> -> vector<2048x128xf32>
    %dot_general3A_101 = arith.constant dense<0.000000e+00> : vector<2048x128xf32>
    %dot_general3A_102 = tpu.matmul %reshape3A_90, %convert_element_type3A_46, %dot_general3A_101 {dimension_numbers = #tpu.dot_dimension_numbers<[1], [0], [0], [1], [0, 0, 1, 1], [], []>, transpose_lhs_hint = false} : vector<2048x8xf32>, vector<8x128xf32>, vector<2048x128xf32> -> vector<2048x128xf32>
    %convert_element_type3A_103 = arith.truncf %dot_general3A_100 : vector<2048x128xf32> to vector<2048x128xbf16>
    %convert_element_type3A_104 = arith.extf %convert_element_type3A_103 : vector<2048x128xbf16> to vector<2048x128xf32>
    %convert_element_type3A_105 = arith.truncf %add3A_94 : vector<2048x128xf32> to vector<2048x128xbf16>
    %convert_element_type3A_106 = arith.extf %convert_element_type3A_105 : vector<2048x128xbf16> to vector<2048x128xf32>
    %mul3A_107 = arith.mulf %convert_element_type3A_104, %convert_element_type3A_106 : vector<2048x128xf32>
    %reshape3A_108 = vector.shape_cast %mul3A_107 : vector<2048x128xf32> to vector<32x64x128xf32>
    %reduce_sum3A_109 = arith.constant dense<0.000000e+00> : vector<32x128xf32>
    %reduce_sum3A_110 = vector.multi_reduction <add>, %reshape3A_108, %reduce_sum3A_109 [1] : vector<32x64x128xf32> to vector<32x128xf32>
    %convert_element_type3A_111 = arith.truncf %dot_general3A_102 : vector<2048x128xf32> to vector<2048x128xbf16>
    %convert_element_type3A_112 = arith.extf %convert_element_type3A_111 : vector<2048x128xbf16> to vector<2048x128xf32>
    %convert_element_type3A_113 = arith.truncf %add3A_98 : vector<2048x128xf32> to vector<2048x128xbf16>
    %convert_element_type3A_114 = arith.extf %convert_element_type3A_113 : vector<2048x128xbf16> to vector<2048x128xf32>
    %mul3A_115 = arith.mulf %convert_element_type3A_112, %convert_element_type3A_114 : vector<2048x128xf32>
    %reshape3A_116 = vector.shape_cast %mul3A_115 : vector<2048x128xf32> to vector<32x64x128xf32>
    %reduce_sum3A_117 = arith.constant dense<0.000000e+00> : vector<32x128xf32>
    %reduce_sum3A_118 = vector.multi_reduction <add>, %reshape3A_116, %reduce_sum3A_117 [1] : vector<32x64x128xf32> to vector<32x128xf32>
    %add3A_119 = arith.addf %reduce_sum3A_110, %reduce_sum3A_118 : vector<32x128xf32>
    %iota3A_120 = tpu.iota {dimensions = array<i32: 2>} : vector<32x64x64xi32>
    %get3A_121 = arith.constant 0 : index
    %get3A_122 = arith.constant 0 : index
    %get3A_123 = vector.load %arg3[%get3A_121, %get3A_122] : memref<32x64xi32, #tpu.memory_space<vmem>>, vector<32x64xi32>
    %broadcast_in_dim3A_124 = vector.shape_cast %get3A_123 : vector<32x64xi32> to vector<32x64x1xi32>
    %eq3A_125 = vector.broadcast %broadcast_in_dim3A_124 : vector<32x64x1xi32> to vector<32x64x64xi32>
    %eq3A_126 = arith.cmpi eq, %iota3A_120, %eq3A_125 : vector<32x64x64xi32>
    %convert_element_type3A_127 = arith.extui %eq3A_126 : vector<32x64x64xi1> to vector<32x64x64xi32>
    %convert_element_type3A_128 = arith.sitofp %convert_element_type3A_127 : vector<32x64x64xi32> to vector<32x64x64xf32>
    %get3A_129 = arith.constant 0 : index
    %get3A_130 = arith.constant 0 : index
    %get3A_131 = vector.load %arg4[%get3A_129, %get3A_130] : memref<32x64xi32, #tpu.memory_space<vmem>>, vector<32x64xi32>
    %broadcast_in_dim3A_132 = vector.shape_cast %get3A_131 : vector<32x64xi32> to vector<32x64x1xi32>
    %eq3A_133 = vector.broadcast %broadcast_in_dim3A_132 : vector<32x64x1xi32> to vector<32x64x64xi32>
    %eq3A_134 = arith.cmpi eq, %iota3A_120, %eq3A_133 : vector<32x64x64xi32>
    %convert_element_type3A_135 = arith.extui %eq3A_134 : vector<32x64x64xi1> to vector<32x64x64xi32>
    %convert_element_type3A_136 = arith.sitofp %convert_element_type3A_135 : vector<32x64x64xi32> to vector<32x64x64xf32>
    %get3A_137 = arith.constant 0 : index
    %get3A_138 = arith.constant 0 : index
    %get3A_139 = vector.load %arg19[%get3A_137, %get3A_138] : memref<512x256xf32, #tpu.memory_space<vmem>>, vector<512x256xf32>
    %get3A_140 = arith.constant 0 : index
    %get3A_141 = arith.constant 0 : index
    %get3A_142 = vector.load %arg20[%get3A_140, %get3A_141] : memref<1x256xf32, #tpu.memory_space<vmem>>, vector<1x256xf32>
    %get3A_143 = arith.constant 0 : index
    %get3A_144 = arith.constant 0 : index
    %get3A_145 = vector.load %arg21[%get3A_143, %get3A_144] : memref<256x128xf32, #tpu.memory_space<vmem>>, vector<256x128xf32>
    %get3A_146 = arith.constant 0 : index
    %get3A_147 = arith.constant 0 : index
    %get3A_148 = vector.load %arg22[%get3A_146, %get3A_147] : memref<1x128xf32, #tpu.memory_space<vmem>>, vector<1x128xf32>
    %get3A_149 = arith.constant 0 : index
    %get3A_150 = arith.constant 0 : index
    %get3A_151 = vector.load %arg23[%get3A_149, %get3A_150] : memref<384x256xf32, #tpu.memory_space<vmem>>, vector<384x256xf32>
    %get3A_152 = arith.constant 0 : index
    %get3A_153 = arith.constant 0 : index
    %get3A_154 = vector.load %arg24[%get3A_152, %get3A_153] : memref<1x256xf32, #tpu.memory_space<vmem>>, vector<1x256xf32>
    %get3A_155 = arith.constant 0 : index
    %get3A_156 = arith.constant 0 : index
    %get3A_157 = vector.load %arg25[%get3A_155, %get3A_156] : memref<256x128xf32, #tpu.memory_space<vmem>>, vector<256x128xf32>
    %get3A_158 = arith.constant 0 : index
    %get3A_159 = arith.constant 0 : index
    %get3A_160 = vector.load %arg26[%get3A_158, %get3A_159] : memref<1x128xf32, #tpu.memory_space<vmem>>, vector<1x128xf32>
    %reshape3A_161 = vector.shape_cast %get3A_16 : vector<2048x128xf32> to vector<32x64x128xf32>
    %dot_general3A_162 = arith.constant dense<0.000000e+00> : vector<32x64x128xf32>
    %dot_general3A_163 = tpu.matmul %convert_element_type3A_128, %reshape3A_161, %dot_general3A_162 {dimension_numbers = #tpu.dot_dimension_numbers<[2], [1], [1], [2], [0, 0, 0, 1, 1, 2], [0], [0]>, transpose_lhs_hint = false} : vector<32x64x64xf32>, vector<32x64x128xf32>, vector<32x64x128xf32> -> vector<32x64x128xf32>
    %reshape3A_164 = vector.shape_cast %dot_general3A_163 : vector<32x64x128xf32> to vector<2048x128xf32>
    %reshape3A_165 = vector.shape_cast %get3A_16 : vector<2048x128xf32> to vector<32x64x128xf32>
    %dot_general3A_166 = arith.constant dense<0.000000e+00> : vector<32x64x128xf32>
    %dot_general3A_167 = tpu.matmul %convert_element_type3A_136, %reshape3A_165, %dot_general3A_166 {dimension_numbers = #tpu.dot_dimension_numbers<[2], [1], [1], [2], [0, 0, 0, 1, 1, 2], [0], [0]>, transpose_lhs_hint = false} : vector<32x64x64xf32>, vector<32x64x128xf32>, vector<32x64x128xf32> -> vector<32x64x128xf32>
    %reshape3A_168 = vector.shape_cast %dot_general3A_167 : vector<32x64x128xf32> to vector<2048x128xf32>
    %slice3A = vector.extract_strided_slice %get3A_139 {offsets = [0, 0], sizes = [128, 256], strides = [1, 1]} : vector<512x256xf32> to vector<128x256xf32>
    %dot_general3A_169 = arith.constant dense<0.000000e+00> : vector<2048x256xf32>
    %dot_general3A_170 = tpu.matmul %get3A_19, %slice3A, %dot_general3A_169 {dimension_numbers = #tpu.dot_dimension_numbers<[1], [0], [0], [1], [0, 0, 1, 1], [], []>, transpose_lhs_hint = false} : vector<2048x128xf32>, vector<128x256xf32>, vector<2048x256xf32> -> vector<2048x256xf32>
    %slice3A_171 = vector.extract_strided_slice %get3A_139 {offsets = [128, 0], sizes = [128, 256], strides = [1, 1]} : vector<512x256xf32> to vector<128x256xf32>
    %dot_general3A_172 = arith.constant dense<0.000000e+00> : vector<2048x256xf32>
    %dot_general3A_173 = tpu.matmul %reshape3A_164, %slice3A_171, %dot_general3A_172 {dimension_numbers = #tpu.dot_dimension_numbers<[1], [0], [0], [1], [0, 0, 1, 1], [], []>, transpose_lhs_hint = false} : vector<2048x128xf32>, vector<128x256xf32>, vector<2048x256xf32> -> vector<2048x256xf32>
    %add3A_174 = arith.addf %dot_general3A_170, %dot_general3A_173 : vector<2048x256xf32>
    %slice3A_175 = vector.extract_strided_slice %get3A_139 {offsets = [256, 0], sizes = [128, 256], strides = [1, 1]} : vector<512x256xf32> to vector<128x256xf32>
    %dot_general3A_176 = arith.constant dense<0.000000e+00> : vector<2048x256xf32>
    %dot_general3A_177 = tpu.matmul %reshape3A_168, %slice3A_175, %dot_general3A_176 {dimension_numbers = #tpu.dot_dimension_numbers<[1], [0], [0], [1], [0, 0, 1, 1], [], []>, transpose_lhs_hint = false} : vector<2048x128xf32>, vector<128x256xf32>, vector<2048x256xf32> -> vector<2048x256xf32>
    %add3A_178 = arith.addf %add3A_174, %dot_general3A_177 : vector<2048x256xf32>
    %add3A_179 = vector.broadcast %get3A_142 : vector<1x256xf32> to vector<2048x256xf32>
    %add3A_180 = arith.addf %add3A_178, %add3A_179 : vector<2048x256xf32>
    %slice3A_181 = vector.extract_strided_slice %get3A_139 {offsets = [384, 0], sizes = [128, 256], strides = [1, 1]} : vector<512x256xf32> to vector<128x256xf32>
    %dot_general3A_182 = arith.constant dense<0.000000e+00> : vector<32x256xf32>
    %dot_general3A_183 = tpu.matmul %add3A_119, %slice3A_181, %dot_general3A_182 {dimension_numbers = #tpu.dot_dimension_numbers<[1], [0], [0], [1], [0, 0, 1, 1], [], []>, transpose_lhs_hint = false} : vector<32x128xf32>, vector<128x256xf32>, vector<32x256xf32> -> vector<32x256xf32>
    %reshape3A_184 = vector.shape_cast %add3A_180 : vector<2048x256xf32> to vector<32x64x256xf32>
    %broadcast_in_dim3A_185 = vector.shape_cast %dot_general3A_183 : vector<32x256xf32> to vector<32x1x256xf32>
    %add3A_186 = vector.broadcast %broadcast_in_dim3A_185 : vector<32x1x256xf32> to vector<32x64x256xf32>
    %add3A_187 = arith.addf %reshape3A_184, %add3A_186 : vector<32x64x256xf32>
    %max3A_188 = arith.constant 0.000000e+00 : f32
    %max3A_189 = vector.broadcast %max3A_188 : f32 to vector<32x64x256xf32>
    %max3A_190 = arith.maximumf %add3A_187, %max3A_189 : vector<32x64x256xf32>
    %reshape3A_191 = vector.shape_cast %max3A_190 : vector<32x64x256xf32> to vector<2048x256xf32>
    %dot_general3A_192 = arith.constant dense<0.000000e+00> : vector<2048x128xf32>
    %dot_general3A_193 = tpu.matmul %reshape3A_191, %get3A_145, %dot_general3A_192 {dimension_numbers = #tpu.dot_dimension_numbers<[1], [0], [0], [1], [0, 0, 1, 1], [], []>, transpose_lhs_hint = false} : vector<2048x256xf32>, vector<256x128xf32>, vector<2048x128xf32> -> vector<2048x128xf32>
    %add3A_194 = arith.addf %get3A_19, %dot_general3A_193 : vector<2048x128xf32>
    %add3A_195 = vector.broadcast %get3A_148 : vector<1x128xf32> to vector<2048x128xf32>
    %add3A_196 = arith.addf %add3A_194, %add3A_195 : vector<2048x128xf32>
    %slice3A_197 = vector.extract_strided_slice %get3A_151 {offsets = [0, 0], sizes = [128, 256], strides = [1, 1]} : vector<384x256xf32> to vector<128x256xf32>
    %dot_general3A_198 = arith.constant dense<0.000000e+00> : vector<2048x256xf32>
    %dot_general3A_199 = tpu.matmul %reshape3A_164, %slice3A_197, %dot_general3A_198 {dimension_numbers = #tpu.dot_dimension_numbers<[1], [0], [0], [1], [0, 0, 1, 1], [], []>, transpose_lhs_hint = false} : vector<2048x128xf32>, vector<128x256xf32>, vector<2048x256xf32> -> vector<2048x256xf32>
    %slice3A_200 = vector.extract_strided_slice %get3A_151 {offsets = [128, 0], sizes = [128, 256], strides = [1, 1]} : vector<384x256xf32> to vector<128x256xf32>
    %dot_general3A_201 = arith.constant dense<0.000000e+00> : vector<2048x256xf32>
    %dot_general3A_202 = tpu.matmul %add3A_196, %slice3A_200, %dot_general3A_201 {dimension_numbers = #tpu.dot_dimension_numbers<[1], [0], [0], [1], [0, 0, 1, 1], [], []>, transpose_lhs_hint = false} : vector<2048x128xf32>, vector<128x256xf32>, vector<2048x256xf32> -> vector<2048x256xf32>
    %add3A_203 = arith.addf %dot_general3A_199, %dot_general3A_202 : vector<2048x256xf32>
    %add3A_204 = vector.broadcast %get3A_154 : vector<1x256xf32> to vector<2048x256xf32>
    %add3A_205 = arith.addf %add3A_203, %add3A_204 : vector<2048x256xf32>
    %slice3A_206 = vector.extract_strided_slice %get3A_151 {offsets = [256, 0], sizes = [128, 256], strides = [1, 1]} : vector<384x256xf32> to vector<128x256xf32>
    %dot_general3A_207 = arith.constant dense<0.000000e+00> : vector<32x256xf32>
    %dot_general3A_208 = tpu.matmul %add3A_119, %slice3A_206, %dot_general3A_207 {dimension_numbers = #tpu.dot_dimension_numbers<[1], [0], [0], [1], [0, 0, 1, 1], [], []>, transpose_lhs_hint = false} : vector<32x128xf32>, vector<128x256xf32>, vector<32x256xf32> -> vector<32x256xf32>
    %reshape3A_209 = vector.shape_cast %add3A_205 : vector<2048x256xf32> to vector<32x64x256xf32>
    %broadcast_in_dim3A_210 = vector.shape_cast %dot_general3A_208 : vector<32x256xf32> to vector<32x1x256xf32>
    %add3A_211 = vector.broadcast %broadcast_in_dim3A_210 : vector<32x1x256xf32> to vector<32x64x256xf32>
    %add3A_212 = arith.addf %reshape3A_209, %add3A_211 : vector<32x64x256xf32>
    %max3A_213 = arith.constant 0.000000e+00 : f32
    %max3A_214 = vector.broadcast %max3A_213 : f32 to vector<32x64x256xf32>
    %max3A_215 = arith.maximumf %add3A_212, %max3A_214 : vector<32x64x256xf32>
    %reshape3A_216 = vector.shape_cast %max3A_215 : vector<32x64x256xf32> to vector<2048x256xf32>
    %dot_general3A_217 = arith.constant dense<0.000000e+00> : vector<2048x128xf32>
    %dot_general3A_218 = tpu.matmul %reshape3A_216, %get3A_157, %dot_general3A_217 {dimension_numbers = #tpu.dot_dimension_numbers<[1], [0], [0], [1], [0, 0, 1, 1], [], []>, transpose_lhs_hint = false} : vector<2048x256xf32>, vector<256x128xf32>, vector<2048x128xf32> -> vector<2048x128xf32>
    %add3A_219 = vector.broadcast %get3A_160 : vector<1x128xf32> to vector<2048x128xf32>
    %add3A_220 = arith.addf %dot_general3A_218, %add3A_219 : vector<2048x128xf32>
    %reshape3A_221 = vector.shape_cast %add3A_220 : vector<2048x128xf32> to vector<32x64x128xf32>
    %mul3A_222 = vector.broadcast %broadcast_in_dim3A_13 : vector<32x64x1xf32> to vector<32x64x128xf32>
    %mul3A_223 = arith.mulf %reshape3A_221, %mul3A_222 : vector<32x64x128xf32>
    %convert_element_type3A_224 = arith.truncf %mul3A_223 : vector<32x64x128xf32> to vector<32x64x128xbf16>
    %convert_element_type3A_225 = arith.extf %convert_element_type3A_224 : vector<32x64x128xbf16> to vector<32x64x128xf32>
    %sub3A_226 = arith.subf %mul3A_223, %convert_element_type3A_225 : vector<32x64x128xf32>
    %dot_general3A_227 = arith.constant dense<0.000000e+00> : vector<32x64x128xf32>
    %dot_general3A_228 = tpu.matmul %convert_element_type3A_136, %convert_element_type3A_225, %dot_general3A_227 {dimension_numbers = #tpu.dot_dimension_numbers<[1], [1], [2], [2], [0, 0, 0, 2, 1, 2], [0], [0]>, transpose_lhs_hint = false} : vector<32x64x64xf32>, vector<32x64x128xf32>, vector<32x64x128xf32> -> vector<32x64x128xf32>
    %dot_general3A_229 = arith.constant dense<0.000000e+00> : vector<32x64x128xf32>
    %dot_general3A_230 = tpu.matmul %convert_element_type3A_136, %sub3A_226, %dot_general3A_229 {dimension_numbers = #tpu.dot_dimension_numbers<[1], [1], [2], [2], [0, 0, 0, 2, 1, 2], [0], [0]>, transpose_lhs_hint = false} : vector<32x64x64xf32>, vector<32x64x128xf32>, vector<32x64x128xf32> -> vector<32x64x128xf32>
    %add3A_231 = arith.addf %dot_general3A_228, %dot_general3A_230 : vector<32x64x128xf32>
    %reshape3A_232 = vector.shape_cast %add3A_231 : vector<32x64x128xf32> to vector<2048x128xf32>
    %add3A_233 = arith.addf %get3A_16, %reshape3A_232 : vector<2048x128xf32>
    %get3A_234 = arith.constant 0 : index
    %get3A_235 = arith.constant 0 : index
    %get3A_236 = vector.load %arg11[%get3A_234, %get3A_235] : memref<128x8xf32, #tpu.memory_space<vmem>>, vector<128x8xf32>
    %get3A_237 = arith.constant 0 : index
    %get3A_238 = arith.constant 0 : index
    %get3A_239 = vector.load %arg12[%get3A_237, %get3A_238] : memref<1x8xf32, #tpu.memory_space<vmem>>, vector<1x8xf32>
    %get3A_240 = arith.constant 0 : index
    %get3A_241 = arith.constant 0 : index
    %get3A_242 = vector.load %arg13[%get3A_240, %get3A_241] : memref<128x128xf32, #tpu.memory_space<vmem>>, vector<128x128xf32>
    %get3A_243 = arith.constant 0 : index
    %get3A_244 = arith.constant 0 : index
    %get3A_245 = vector.load %arg14[%get3A_243, %get3A_244] : memref<1x128xf32, #tpu.memory_space<vmem>>, vector<1x128xf32>
    %dot_general3A_246 = arith.constant dense<0.000000e+00> : vector<2048x8xf32>
    %dot_general3A_247 = tpu.matmul %add3A_233, %get3A_236, %dot_general3A_246 {dimension_numbers = #tpu.dot_dimension_numbers<[1], [0], [0], [1], [0, 0, 1, 1], [], []>, transpose_lhs_hint = false} : vector<2048x128xf32>, vector<128x8xf32>, vector<2048x8xf32> -> vector<2048x8xf32>
    %add3A_248 = vector.broadcast %get3A_239 : vector<1x8xf32> to vector<2048x8xf32>
    %add3A_249 = arith.addf %dot_general3A_247, %add3A_248 : vector<2048x8xf32>
    %reshape3A_250 = vector.shape_cast %add3A_249 : vector<2048x8xf32> to vector<32x64x8xf32>
    %dot_general3A_251 = arith.constant dense<0.000000e+00> : vector<2048x8xf32>
    %dot_general3A_252 = tpu.matmul %add3A_196, %get3A_236, %dot_general3A_251 {dimension_numbers = #tpu.dot_dimension_numbers<[1], [0], [0], [1], [0, 0, 1, 1], [], []>, transpose_lhs_hint = false} : vector<2048x128xf32>, vector<128x8xf32>, vector<2048x8xf32> -> vector<2048x8xf32>
    %add3A_253 = vector.broadcast %get3A_239 : vector<1x8xf32> to vector<2048x8xf32>
    %add3A_254 = arith.addf %dot_general3A_252, %add3A_253 : vector<2048x8xf32>
    %reshape3A_255 = vector.shape_cast %add3A_254 : vector<2048x8xf32> to vector<32x64x8xf32>
    %reduce_max3A_256 = arith.constant dense<0xFF800000> : vector<32x8xf32>
    %reduce_max3A_257 = vector.multi_reduction <maximumf>, %reshape3A_250, %reduce_max3A_256 [1] : vector<32x64x8xf32> to vector<32x8xf32>
    %reduce_max3A_258 = arith.constant dense<0xFF800000> : vector<32x8xf32>
    %reduce_max3A_259 = vector.multi_reduction <maximumf>, %reshape3A_255, %reduce_max3A_258 [1] : vector<32x64x8xf32> to vector<32x8xf32>
    %max3A_260 = arith.maximumf %reduce_max3A_257, %reduce_max3A_259 : vector<32x8xf32>
    %broadcast_in_dim3A_261 = vector.shape_cast %max3A_260 : vector<32x8xf32> to vector<32x1x8xf32>
    %sub3A_262 = vector.broadcast %broadcast_in_dim3A_261 : vector<32x1x8xf32> to vector<32x64x8xf32>
    %sub3A_263 = arith.subf %reshape3A_250, %sub3A_262 : vector<32x64x8xf32>
    %exp3A_264 = math.exp %sub3A_263 : vector<32x64x8xf32>
    %mul3A_265 = vector.broadcast %broadcast_in_dim3A : vector<32x64x1xf32> to vector<32x64x8xf32>
    %mul3A_266 = arith.mulf %exp3A_264, %mul3A_265 : vector<32x64x8xf32>
    %broadcast_in_dim3A_267 = vector.shape_cast %max3A_260 : vector<32x8xf32> to vector<32x1x8xf32>
    %sub3A_268 = vector.broadcast %broadcast_in_dim3A_267 : vector<32x1x8xf32> to vector<32x64x8xf32>
    %sub3A_269 = arith.subf %reshape3A_255, %sub3A_268 : vector<32x64x8xf32>
    %exp3A_270 = math.exp %sub3A_269 : vector<32x64x8xf32>
    %mul3A_271 = vector.broadcast %broadcast_in_dim3A_13 : vector<32x64x1xf32> to vector<32x64x8xf32>
    %mul3A_272 = arith.mulf %exp3A_270, %mul3A_271 : vector<32x64x8xf32>
    %reduce_sum3A_273 = arith.constant dense<0.000000e+00> : vector<32x8xf32>
    %reduce_sum3A_274 = vector.multi_reduction <add>, %mul3A_266, %reduce_sum3A_273 [1] : vector<32x64x8xf32> to vector<32x8xf32>
    %reduce_sum3A_275 = arith.constant dense<0.000000e+00> : vector<32x8xf32>
    %reduce_sum3A_276 = vector.multi_reduction <add>, %mul3A_272, %reduce_sum3A_275 [1] : vector<32x64x8xf32> to vector<32x8xf32>
    %add3A_277 = arith.addf %reduce_sum3A_274, %reduce_sum3A_276 : vector<32x8xf32>
    %broadcast_in_dim3A_278 = vector.shape_cast %add3A_277 : vector<32x8xf32> to vector<32x1x8xf32>
    %div3A_279 = vector.broadcast %broadcast_in_dim3A_278 : vector<32x1x8xf32> to vector<32x64x8xf32>
    %div3A_280 = arith.divf %mul3A_266, %div3A_279 : vector<32x64x8xf32>
    %reshape3A_281 = vector.shape_cast %div3A_280 : vector<32x64x8xf32> to vector<2048x8xf32>
    %broadcast_in_dim3A_282 = vector.shape_cast %add3A_277 : vector<32x8xf32> to vector<32x1x8xf32>
    %div3A_283 = vector.broadcast %broadcast_in_dim3A_282 : vector<32x1x8xf32> to vector<32x64x8xf32>
    %div3A_284 = arith.divf %mul3A_272, %div3A_283 : vector<32x64x8xf32>
    %reshape3A_285 = vector.shape_cast %div3A_284 : vector<32x64x8xf32> to vector<2048x8xf32>
    %dot_general3A_286 = arith.constant dense<0.000000e+00> : vector<2048x128xf32>
    %dot_general3A_287 = tpu.matmul %add3A_233, %get3A_242, %dot_general3A_286 {dimension_numbers = #tpu.dot_dimension_numbers<[1], [0], [0], [1], [0, 0, 1, 1], [], []>, transpose_lhs_hint = false} : vector<2048x128xf32>, vector<128x128xf32>, vector<2048x128xf32> -> vector<2048x128xf32>
    %add3A_288 = vector.broadcast %get3A_245 : vector<1x128xf32> to vector<2048x128xf32>
    %add3A_289 = arith.addf %dot_general3A_287, %add3A_288 : vector<2048x128xf32>
    %dot_general3A_290 = arith.constant dense<0.000000e+00> : vector<2048x128xf32>
    %dot_general3A_291 = tpu.matmul %add3A_196, %get3A_242, %dot_general3A_290 {dimension_numbers = #tpu.dot_dimension_numbers<[1], [0], [0], [1], [0, 0, 1, 1], [], []>, transpose_lhs_hint = false} : vector<2048x128xf32>, vector<128x128xf32>, vector<2048x128xf32> -> vector<2048x128xf32>
    %add3A_292 = vector.broadcast %get3A_245 : vector<1x128xf32> to vector<2048x128xf32>
    %add3A_293 = arith.addf %dot_general3A_291, %add3A_292 : vector<2048x128xf32>
    %dot_general3A_294 = arith.constant dense<0.000000e+00> : vector<2048x128xf32>
    %dot_general3A_295 = tpu.matmul %reshape3A_281, %convert_element_type3A_46, %dot_general3A_294 {dimension_numbers = #tpu.dot_dimension_numbers<[1], [0], [0], [1], [0, 0, 1, 1], [], []>, transpose_lhs_hint = false} : vector<2048x8xf32>, vector<8x128xf32>, vector<2048x128xf32> -> vector<2048x128xf32>
    %dot_general3A_296 = arith.constant dense<0.000000e+00> : vector<2048x128xf32>
    %dot_general3A_297 = tpu.matmul %reshape3A_285, %convert_element_type3A_46, %dot_general3A_296 {dimension_numbers = #tpu.dot_dimension_numbers<[1], [0], [0], [1], [0, 0, 1, 1], [], []>, transpose_lhs_hint = false} : vector<2048x8xf32>, vector<8x128xf32>, vector<2048x128xf32> -> vector<2048x128xf32>
    %convert_element_type3A_298 = arith.truncf %dot_general3A_295 : vector<2048x128xf32> to vector<2048x128xbf16>
    %convert_element_type3A_299 = arith.extf %convert_element_type3A_298 : vector<2048x128xbf16> to vector<2048x128xf32>
    %convert_element_type3A_300 = arith.truncf %add3A_289 : vector<2048x128xf32> to vector<2048x128xbf16>
    %convert_element_type3A_301 = arith.extf %convert_element_type3A_300 : vector<2048x128xbf16> to vector<2048x128xf32>
    %mul3A_302 = arith.mulf %convert_element_type3A_299, %convert_element_type3A_301 : vector<2048x128xf32>
    %reshape3A_303 = vector.shape_cast %mul3A_302 : vector<2048x128xf32> to vector<32x64x128xf32>
    %reduce_sum3A_304 = arith.constant dense<0.000000e+00> : vector<32x128xf32>
    %reduce_sum3A_305 = vector.multi_reduction <add>, %reshape3A_303, %reduce_sum3A_304 [1] : vector<32x64x128xf32> to vector<32x128xf32>
    %convert_element_type3A_306 = arith.truncf %dot_general3A_297 : vector<2048x128xf32> to vector<2048x128xbf16>
    %convert_element_type3A_307 = arith.extf %convert_element_type3A_306 : vector<2048x128xbf16> to vector<2048x128xf32>
    %convert_element_type3A_308 = arith.truncf %add3A_293 : vector<2048x128xf32> to vector<2048x128xbf16>
    %convert_element_type3A_309 = arith.extf %convert_element_type3A_308 : vector<2048x128xbf16> to vector<2048x128xf32>
    %mul3A_310 = arith.mulf %convert_element_type3A_307, %convert_element_type3A_309 : vector<2048x128xf32>
    %reshape3A_311 = vector.shape_cast %mul3A_310 : vector<2048x128xf32> to vector<32x64x128xf32>
    %reduce_sum3A_312 = arith.constant dense<0.000000e+00> : vector<32x128xf32>
    %reduce_sum3A_313 = vector.multi_reduction <add>, %reshape3A_311, %reduce_sum3A_312 [1] : vector<32x64x128xf32> to vector<32x128xf32>
    %add3A_314 = arith.addf %reduce_sum3A_305, %reduce_sum3A_313 : vector<32x128xf32>
    %add3A_315 = arith.addf %add3A_119, %add3A_314 : vector<32x128xf32>
    %get3A_316 = arith.constant 0 : index
    %get3A_317 = arith.constant 0 : index
    %get3A_318 = vector.load %arg27[%get3A_316, %get3A_317] : memref<512x256xf32, #tpu.memory_space<vmem>>, vector<512x256xf32>
    %get3A_319 = arith.constant 0 : index
    %get3A_320 = arith.constant 0 : index
    %get3A_321 = vector.load %arg28[%get3A_319, %get3A_320] : memref<1x256xf32, #tpu.memory_space<vmem>>, vector<1x256xf32>
    %get3A_322 = arith.constant 0 : index
    %get3A_323 = arith.constant 0 : index
    %get3A_324 = vector.load %arg29[%get3A_322, %get3A_323] : memref<256x128xf32, #tpu.memory_space<vmem>>, vector<256x128xf32>
    %get3A_325 = arith.constant 0 : index
    %get3A_326 = arith.constant 0 : index
    %get3A_327 = vector.load %arg30[%get3A_325, %get3A_326] : memref<1x128xf32, #tpu.memory_space<vmem>>, vector<1x128xf32>
    %get3A_328 = arith.constant 0 : index
    %get3A_329 = arith.constant 0 : index
    %get3A_330 = vector.load %arg31[%get3A_328, %get3A_329] : memref<384x256xf32, #tpu.memory_space<vmem>>, vector<384x256xf32>
    %get3A_331 = arith.constant 0 : index
    %get3A_332 = arith.constant 0 : index
    %get3A_333 = vector.load %arg32[%get3A_331, %get3A_332] : memref<1x256xf32, #tpu.memory_space<vmem>>, vector<1x256xf32>
    %get3A_334 = arith.constant 0 : index
    %get3A_335 = arith.constant 0 : index
    %get3A_336 = vector.load %arg33[%get3A_334, %get3A_335] : memref<256x128xf32, #tpu.memory_space<vmem>>, vector<256x128xf32>
    %get3A_337 = arith.constant 0 : index
    %get3A_338 = arith.constant 0 : index
    %get3A_339 = vector.load %arg34[%get3A_337, %get3A_338] : memref<1x128xf32, #tpu.memory_space<vmem>>, vector<1x128xf32>
    %reshape3A_340 = vector.shape_cast %add3A_233 : vector<2048x128xf32> to vector<32x64x128xf32>
    %dot_general3A_341 = arith.constant dense<0.000000e+00> : vector<32x64x128xf32>
    %dot_general3A_342 = tpu.matmul %convert_element_type3A_128, %reshape3A_340, %dot_general3A_341 {dimension_numbers = #tpu.dot_dimension_numbers<[2], [1], [1], [2], [0, 0, 0, 1, 1, 2], [0], [0]>, transpose_lhs_hint = false} : vector<32x64x64xf32>, vector<32x64x128xf32>, vector<32x64x128xf32> -> vector<32x64x128xf32>
    %reshape3A_343 = vector.shape_cast %dot_general3A_342 : vector<32x64x128xf32> to vector<2048x128xf32>
    %reshape3A_344 = vector.shape_cast %add3A_233 : vector<2048x128xf32> to vector<32x64x128xf32>
    %dot_general3A_345 = arith.constant dense<0.000000e+00> : vector<32x64x128xf32>
    %dot_general3A_346 = tpu.matmul %convert_element_type3A_136, %reshape3A_344, %dot_general3A_345 {dimension_numbers = #tpu.dot_dimension_numbers<[2], [1], [1], [2], [0, 0, 0, 1, 1, 2], [0], [0]>, transpose_lhs_hint = false} : vector<32x64x64xf32>, vector<32x64x128xf32>, vector<32x64x128xf32> -> vector<32x64x128xf32>
    %reshape3A_347 = vector.shape_cast %dot_general3A_346 : vector<32x64x128xf32> to vector<2048x128xf32>
    %slice3A_348 = vector.extract_strided_slice %get3A_318 {offsets = [0, 0], sizes = [128, 256], strides = [1, 1]} : vector<512x256xf32> to vector<128x256xf32>
    %dot_general3A_349 = arith.constant dense<0.000000e+00> : vector<2048x256xf32>
    %dot_general3A_350 = tpu.matmul %add3A_196, %slice3A_348, %dot_general3A_349 {dimension_numbers = #tpu.dot_dimension_numbers<[1], [0], [0], [1], [0, 0, 1, 1], [], []>, transpose_lhs_hint = false} : vector<2048x128xf32>, vector<128x256xf32>, vector<2048x256xf32> -> vector<2048x256xf32>
    %slice3A_351 = vector.extract_strided_slice %get3A_318 {offsets = [128, 0], sizes = [128, 256], strides = [1, 1]} : vector<512x256xf32> to vector<128x256xf32>
    %dot_general3A_352 = arith.constant dense<0.000000e+00> : vector<2048x256xf32>
    %dot_general3A_353 = tpu.matmul %reshape3A_343, %slice3A_351, %dot_general3A_352 {dimension_numbers = #tpu.dot_dimension_numbers<[1], [0], [0], [1], [0, 0, 1, 1], [], []>, transpose_lhs_hint = false} : vector<2048x128xf32>, vector<128x256xf32>, vector<2048x256xf32> -> vector<2048x256xf32>
    %add3A_354 = arith.addf %dot_general3A_350, %dot_general3A_353 : vector<2048x256xf32>
    %slice3A_355 = vector.extract_strided_slice %get3A_318 {offsets = [256, 0], sizes = [128, 256], strides = [1, 1]} : vector<512x256xf32> to vector<128x256xf32>
    %dot_general3A_356 = arith.constant dense<0.000000e+00> : vector<2048x256xf32>
    %dot_general3A_357 = tpu.matmul %reshape3A_347, %slice3A_355, %dot_general3A_356 {dimension_numbers = #tpu.dot_dimension_numbers<[1], [0], [0], [1], [0, 0, 1, 1], [], []>, transpose_lhs_hint = false} : vector<2048x128xf32>, vector<128x256xf32>, vector<2048x256xf32> -> vector<2048x256xf32>
    %add3A_358 = arith.addf %add3A_354, %dot_general3A_357 : vector<2048x256xf32>
    %add3A_359 = vector.broadcast %get3A_321 : vector<1x256xf32> to vector<2048x256xf32>
    %add3A_360 = arith.addf %add3A_358, %add3A_359 : vector<2048x256xf32>
    %slice3A_361 = vector.extract_strided_slice %get3A_318 {offsets = [384, 0], sizes = [128, 256], strides = [1, 1]} : vector<512x256xf32> to vector<128x256xf32>
    %dot_general3A_362 = arith.constant dense<0.000000e+00> : vector<32x256xf32>
    %dot_general3A_363 = tpu.matmul %add3A_315, %slice3A_361, %dot_general3A_362 {dimension_numbers = #tpu.dot_dimension_numbers<[1], [0], [0], [1], [0, 0, 1, 1], [], []>, transpose_lhs_hint = false} : vector<32x128xf32>, vector<128x256xf32>, vector<32x256xf32> -> vector<32x256xf32>
    %reshape3A_364 = vector.shape_cast %add3A_360 : vector<2048x256xf32> to vector<32x64x256xf32>
    %broadcast_in_dim3A_365 = vector.shape_cast %dot_general3A_363 : vector<32x256xf32> to vector<32x1x256xf32>
    %add3A_366 = vector.broadcast %broadcast_in_dim3A_365 : vector<32x1x256xf32> to vector<32x64x256xf32>
    %add3A_367 = arith.addf %reshape3A_364, %add3A_366 : vector<32x64x256xf32>
    %max3A_368 = arith.constant 0.000000e+00 : f32
    %max3A_369 = vector.broadcast %max3A_368 : f32 to vector<32x64x256xf32>
    %max3A_370 = arith.maximumf %add3A_367, %max3A_369 : vector<32x64x256xf32>
    %reshape3A_371 = vector.shape_cast %max3A_370 : vector<32x64x256xf32> to vector<2048x256xf32>
    %dot_general3A_372 = arith.constant dense<0.000000e+00> : vector<2048x128xf32>
    %dot_general3A_373 = tpu.matmul %reshape3A_371, %get3A_324, %dot_general3A_372 {dimension_numbers = #tpu.dot_dimension_numbers<[1], [0], [0], [1], [0, 0, 1, 1], [], []>, transpose_lhs_hint = false} : vector<2048x256xf32>, vector<256x128xf32>, vector<2048x128xf32> -> vector<2048x128xf32>
    %add3A_374 = arith.addf %add3A_196, %dot_general3A_373 : vector<2048x128xf32>
    %add3A_375 = vector.broadcast %get3A_327 : vector<1x128xf32> to vector<2048x128xf32>
    %add3A_376 = arith.addf %add3A_374, %add3A_375 : vector<2048x128xf32>
    %slice3A_377 = vector.extract_strided_slice %get3A_330 {offsets = [0, 0], sizes = [128, 256], strides = [1, 1]} : vector<384x256xf32> to vector<128x256xf32>
    %dot_general3A_378 = arith.constant dense<0.000000e+00> : vector<2048x256xf32>
    %dot_general3A_379 = tpu.matmul %reshape3A_343, %slice3A_377, %dot_general3A_378 {dimension_numbers = #tpu.dot_dimension_numbers<[1], [0], [0], [1], [0, 0, 1, 1], [], []>, transpose_lhs_hint = false} : vector<2048x128xf32>, vector<128x256xf32>, vector<2048x256xf32> -> vector<2048x256xf32>
    %slice3A_380 = vector.extract_strided_slice %get3A_330 {offsets = [128, 0], sizes = [128, 256], strides = [1, 1]} : vector<384x256xf32> to vector<128x256xf32>
    %dot_general3A_381 = arith.constant dense<0.000000e+00> : vector<2048x256xf32>
    %dot_general3A_382 = tpu.matmul %add3A_376, %slice3A_380, %dot_general3A_381 {dimension_numbers = #tpu.dot_dimension_numbers<[1], [0], [0], [1], [0, 0, 1, 1], [], []>, transpose_lhs_hint = false} : vector<2048x128xf32>, vector<128x256xf32>, vector<2048x256xf32> -> vector<2048x256xf32>
    %add3A_383 = arith.addf %dot_general3A_379, %dot_general3A_382 : vector<2048x256xf32>
    %add3A_384 = vector.broadcast %get3A_333 : vector<1x256xf32> to vector<2048x256xf32>
    %add3A_385 = arith.addf %add3A_383, %add3A_384 : vector<2048x256xf32>
    %slice3A_386 = vector.extract_strided_slice %get3A_330 {offsets = [256, 0], sizes = [128, 256], strides = [1, 1]} : vector<384x256xf32> to vector<128x256xf32>
    %dot_general3A_387 = arith.constant dense<0.000000e+00> : vector<32x256xf32>
    %dot_general3A_388 = tpu.matmul %add3A_315, %slice3A_386, %dot_general3A_387 {dimension_numbers = #tpu.dot_dimension_numbers<[1], [0], [0], [1], [0, 0, 1, 1], [], []>, transpose_lhs_hint = false} : vector<32x128xf32>, vector<128x256xf32>, vector<32x256xf32> -> vector<32x256xf32>
    %reshape3A_389 = vector.shape_cast %add3A_385 : vector<2048x256xf32> to vector<32x64x256xf32>
    %broadcast_in_dim3A_390 = vector.shape_cast %dot_general3A_388 : vector<32x256xf32> to vector<32x1x256xf32>
    %add3A_391 = vector.broadcast %broadcast_in_dim3A_390 : vector<32x1x256xf32> to vector<32x64x256xf32>
    %add3A_392 = arith.addf %reshape3A_389, %add3A_391 : vector<32x64x256xf32>
    %max3A_393 = arith.constant 0.000000e+00 : f32
    %max3A_394 = vector.broadcast %max3A_393 : f32 to vector<32x64x256xf32>
    %max3A_395 = arith.maximumf %add3A_392, %max3A_394 : vector<32x64x256xf32>
    %reshape3A_396 = vector.shape_cast %max3A_395 : vector<32x64x256xf32> to vector<2048x256xf32>
    %dot_general3A_397 = arith.constant dense<0.000000e+00> : vector<2048x128xf32>
    %dot_general3A_398 = tpu.matmul %reshape3A_396, %get3A_336, %dot_general3A_397 {dimension_numbers = #tpu.dot_dimension_numbers<[1], [0], [0], [1], [0, 0, 1, 1], [], []>, transpose_lhs_hint = false} : vector<2048x256xf32>, vector<256x128xf32>, vector<2048x128xf32> -> vector<2048x128xf32>
    %add3A_399 = vector.broadcast %get3A_339 : vector<1x128xf32> to vector<2048x128xf32>
    %add3A_400 = arith.addf %dot_general3A_398, %add3A_399 : vector<2048x128xf32>
    %reshape3A_401 = vector.shape_cast %add3A_400 : vector<2048x128xf32> to vector<32x64x128xf32>
    %mul3A_402 = vector.broadcast %broadcast_in_dim3A_13 : vector<32x64x1xf32> to vector<32x64x128xf32>
    %mul3A_403 = arith.mulf %reshape3A_401, %mul3A_402 : vector<32x64x128xf32>
    %convert_element_type3A_404 = arith.truncf %mul3A_403 : vector<32x64x128xf32> to vector<32x64x128xbf16>
    %convert_element_type3A_405 = arith.extf %convert_element_type3A_404 : vector<32x64x128xbf16> to vector<32x64x128xf32>
    %sub3A_406 = arith.subf %mul3A_403, %convert_element_type3A_405 : vector<32x64x128xf32>
    %dot_general3A_407 = arith.constant dense<0.000000e+00> : vector<32x64x128xf32>
    %dot_general3A_408 = tpu.matmul %convert_element_type3A_136, %convert_element_type3A_405, %dot_general3A_407 {dimension_numbers = #tpu.dot_dimension_numbers<[1], [1], [2], [2], [0, 0, 0, 2, 1, 2], [0], [0]>, transpose_lhs_hint = false} : vector<32x64x64xf32>, vector<32x64x128xf32>, vector<32x64x128xf32> -> vector<32x64x128xf32>
    %dot_general3A_409 = arith.constant dense<0.000000e+00> : vector<32x64x128xf32>
    %dot_general3A_410 = tpu.matmul %convert_element_type3A_136, %sub3A_406, %dot_general3A_409 {dimension_numbers = #tpu.dot_dimension_numbers<[1], [1], [2], [2], [0, 0, 0, 2, 1, 2], [0], [0]>, transpose_lhs_hint = false} : vector<32x64x64xf32>, vector<32x64x128xf32>, vector<32x64x128xf32> -> vector<32x64x128xf32>
    %add3A_411 = arith.addf %dot_general3A_408, %dot_general3A_410 : vector<32x64x128xf32>
    %reshape3A_412 = vector.shape_cast %add3A_411 : vector<32x64x128xf32> to vector<2048x128xf32>
    %add3A_413 = arith.addf %add3A_233, %reshape3A_412 : vector<2048x128xf32>
    %get3A_414 = arith.constant 0 : index
    %get3A_415 = arith.constant 0 : index
    %get3A_416 = vector.load %arg15[%get3A_414, %get3A_415] : memref<128x8xf32, #tpu.memory_space<vmem>>, vector<128x8xf32>
    %get3A_417 = arith.constant 0 : index
    %get3A_418 = arith.constant 0 : index
    %get3A_419 = vector.load %arg16[%get3A_417, %get3A_418] : memref<1x8xf32, #tpu.memory_space<vmem>>, vector<1x8xf32>
    %get3A_420 = arith.constant 0 : index
    %get3A_421 = arith.constant 0 : index
    %get3A_422 = vector.load %arg17[%get3A_420, %get3A_421] : memref<128x128xf32, #tpu.memory_space<vmem>>, vector<128x128xf32>
    %get3A_423 = arith.constant 0 : index
    %get3A_424 = arith.constant 0 : index
    %get3A_425 = vector.load %arg18[%get3A_423, %get3A_424] : memref<1x128xf32, #tpu.memory_space<vmem>>, vector<1x128xf32>
    %dot_general3A_426 = arith.constant dense<0.000000e+00> : vector<2048x8xf32>
    %dot_general3A_427 = tpu.matmul %add3A_413, %get3A_416, %dot_general3A_426 {dimension_numbers = #tpu.dot_dimension_numbers<[1], [0], [0], [1], [0, 0, 1, 1], [], []>, transpose_lhs_hint = false} : vector<2048x128xf32>, vector<128x8xf32>, vector<2048x8xf32> -> vector<2048x8xf32>
    %add3A_428 = vector.broadcast %get3A_419 : vector<1x8xf32> to vector<2048x8xf32>
    %add3A_429 = arith.addf %dot_general3A_427, %add3A_428 : vector<2048x8xf32>
    %reshape3A_430 = vector.shape_cast %add3A_429 : vector<2048x8xf32> to vector<32x64x8xf32>
    %dot_general3A_431 = arith.constant dense<0.000000e+00> : vector<2048x8xf32>
    %dot_general3A_432 = tpu.matmul %add3A_376, %get3A_416, %dot_general3A_431 {dimension_numbers = #tpu.dot_dimension_numbers<[1], [0], [0], [1], [0, 0, 1, 1], [], []>, transpose_lhs_hint = false} : vector<2048x128xf32>, vector<128x8xf32>, vector<2048x8xf32> -> vector<2048x8xf32>
    %add3A_433 = vector.broadcast %get3A_419 : vector<1x8xf32> to vector<2048x8xf32>
    %add3A_434 = arith.addf %dot_general3A_432, %add3A_433 : vector<2048x8xf32>
    %reshape3A_435 = vector.shape_cast %add3A_434 : vector<2048x8xf32> to vector<32x64x8xf32>
    %reduce_max3A_436 = arith.constant dense<0xFF800000> : vector<32x8xf32>
    %reduce_max3A_437 = vector.multi_reduction <maximumf>, %reshape3A_430, %reduce_max3A_436 [1] : vector<32x64x8xf32> to vector<32x8xf32>
    %reduce_max3A_438 = arith.constant dense<0xFF800000> : vector<32x8xf32>
    %reduce_max3A_439 = vector.multi_reduction <maximumf>, %reshape3A_435, %reduce_max3A_438 [1] : vector<32x64x8xf32> to vector<32x8xf32>
    %max3A_440 = arith.maximumf %reduce_max3A_437, %reduce_max3A_439 : vector<32x8xf32>
    %broadcast_in_dim3A_441 = vector.shape_cast %max3A_440 : vector<32x8xf32> to vector<32x1x8xf32>
    %sub3A_442 = vector.broadcast %broadcast_in_dim3A_441 : vector<32x1x8xf32> to vector<32x64x8xf32>
    %sub3A_443 = arith.subf %reshape3A_430, %sub3A_442 : vector<32x64x8xf32>
    %exp3A_444 = math.exp %sub3A_443 : vector<32x64x8xf32>
    %mul3A_445 = vector.broadcast %broadcast_in_dim3A : vector<32x64x1xf32> to vector<32x64x8xf32>
    %mul3A_446 = arith.mulf %exp3A_444, %mul3A_445 : vector<32x64x8xf32>
    %broadcast_in_dim3A_447 = vector.shape_cast %max3A_440 : vector<32x8xf32> to vector<32x1x8xf32>
    %sub3A_448 = vector.broadcast %broadcast_in_dim3A_447 : vector<32x1x8xf32> to vector<32x64x8xf32>
    %sub3A_449 = arith.subf %reshape3A_435, %sub3A_448 : vector<32x64x8xf32>
    %exp3A_450 = math.exp %sub3A_449 : vector<32x64x8xf32>
    %mul3A_451 = vector.broadcast %broadcast_in_dim3A_13 : vector<32x64x1xf32> to vector<32x64x8xf32>
    %mul3A_452 = arith.mulf %exp3A_450, %mul3A_451 : vector<32x64x8xf32>
    %reduce_sum3A_453 = arith.constant dense<0.000000e+00> : vector<32x8xf32>
    %reduce_sum3A_454 = vector.multi_reduction <add>, %mul3A_446, %reduce_sum3A_453 [1] : vector<32x64x8xf32> to vector<32x8xf32>
    %reduce_sum3A_455 = arith.constant dense<0.000000e+00> : vector<32x8xf32>
    %reduce_sum3A_456 = vector.multi_reduction <add>, %mul3A_452, %reduce_sum3A_455 [1] : vector<32x64x8xf32> to vector<32x8xf32>
    %add3A_457 = arith.addf %reduce_sum3A_454, %reduce_sum3A_456 : vector<32x8xf32>
    %broadcast_in_dim3A_458 = vector.shape_cast %add3A_457 : vector<32x8xf32> to vector<32x1x8xf32>
    %div3A_459 = vector.broadcast %broadcast_in_dim3A_458 : vector<32x1x8xf32> to vector<32x64x8xf32>
    %div3A_460 = arith.divf %mul3A_446, %div3A_459 : vector<32x64x8xf32>
    %reshape3A_461 = vector.shape_cast %div3A_460 : vector<32x64x8xf32> to vector<2048x8xf32>
    %broadcast_in_dim3A_462 = vector.shape_cast %add3A_457 : vector<32x8xf32> to vector<32x1x8xf32>
    %div3A_463 = vector.broadcast %broadcast_in_dim3A_462 : vector<32x1x8xf32> to vector<32x64x8xf32>
    %div3A_464 = arith.divf %mul3A_452, %div3A_463 : vector<32x64x8xf32>
    %reshape3A_465 = vector.shape_cast %div3A_464 : vector<32x64x8xf32> to vector<2048x8xf32>
    %dot_general3A_466 = arith.constant dense<0.000000e+00> : vector<2048x128xf32>
    %dot_general3A_467 = tpu.matmul %add3A_413, %get3A_422, %dot_general3A_466 {dimension_numbers = #tpu.dot_dimension_numbers<[1], [0], [0], [1], [0, 0, 1, 1], [], []>, transpose_lhs_hint = false} : vector<2048x128xf32>, vector<128x128xf32>, vector<2048x128xf32> -> vector<2048x128xf32>
    %add3A_468 = vector.broadcast %get3A_425 : vector<1x128xf32> to vector<2048x128xf32>
    %add3A_469 = arith.addf %dot_general3A_467, %add3A_468 : vector<2048x128xf32>
    %dot_general3A_470 = arith.constant dense<0.000000e+00> : vector<2048x128xf32>
    %dot_general3A_471 = tpu.matmul %add3A_376, %get3A_422, %dot_general3A_470 {dimension_numbers = #tpu.dot_dimension_numbers<[1], [0], [0], [1], [0, 0, 1, 1], [], []>, transpose_lhs_hint = false} : vector<2048x128xf32>, vector<128x128xf32>, vector<2048x128xf32> -> vector<2048x128xf32>
    %add3A_472 = vector.broadcast %get3A_425 : vector<1x128xf32> to vector<2048x128xf32>
    %add3A_473 = arith.addf %dot_general3A_471, %add3A_472 : vector<2048x128xf32>
    %dot_general3A_474 = arith.constant dense<0.000000e+00> : vector<2048x128xf32>
    %dot_general3A_475 = tpu.matmul %reshape3A_461, %convert_element_type3A_46, %dot_general3A_474 {dimension_numbers = #tpu.dot_dimension_numbers<[1], [0], [0], [1], [0, 0, 1, 1], [], []>, transpose_lhs_hint = false} : vector<2048x8xf32>, vector<8x128xf32>, vector<2048x128xf32> -> vector<2048x128xf32>
    %dot_general3A_476 = arith.constant dense<0.000000e+00> : vector<2048x128xf32>
    %dot_general3A_477 = tpu.matmul %reshape3A_465, %convert_element_type3A_46, %dot_general3A_476 {dimension_numbers = #tpu.dot_dimension_numbers<[1], [0], [0], [1], [0, 0, 1, 1], [], []>, transpose_lhs_hint = false} : vector<2048x8xf32>, vector<8x128xf32>, vector<2048x128xf32> -> vector<2048x128xf32>
    %convert_element_type3A_478 = arith.truncf %dot_general3A_475 : vector<2048x128xf32> to vector<2048x128xbf16>
    %convert_element_type3A_479 = arith.extf %convert_element_type3A_478 : vector<2048x128xbf16> to vector<2048x128xf32>
    %convert_element_type3A_480 = arith.truncf %add3A_469 : vector<2048x128xf32> to vector<2048x128xbf16>
    %convert_element_type3A_481 = arith.extf %convert_element_type3A_480 : vector<2048x128xbf16> to vector<2048x128xf32>
    %mul3A_482 = arith.mulf %convert_element_type3A_479, %convert_element_type3A_481 : vector<2048x128xf32>
    %reshape3A_483 = vector.shape_cast %mul3A_482 : vector<2048x128xf32> to vector<32x64x128xf32>
    %reduce_sum3A_484 = arith.constant dense<0.000000e+00> : vector<32x128xf32>
    %reduce_sum3A_485 = vector.multi_reduction <add>, %reshape3A_483, %reduce_sum3A_484 [1] : vector<32x64x128xf32> to vector<32x128xf32>
    %convert_element_type3A_486 = arith.truncf %dot_general3A_477 : vector<2048x128xf32> to vector<2048x128xbf16>
    %convert_element_type3A_487 = arith.extf %convert_element_type3A_486 : vector<2048x128xbf16> to vector<2048x128xf32>
    %convert_element_type3A_488 = arith.truncf %add3A_473 : vector<2048x128xf32> to vector<2048x128xbf16>
    %convert_element_type3A_489 = arith.extf %convert_element_type3A_488 : vector<2048x128xbf16> to vector<2048x128xf32>
    %mul3A_490 = arith.mulf %convert_element_type3A_487, %convert_element_type3A_489 : vector<2048x128xf32>
    %reshape3A_491 = vector.shape_cast %mul3A_490 : vector<2048x128xf32> to vector<32x64x128xf32>
    %reduce_sum3A_492 = arith.constant dense<0.000000e+00> : vector<32x128xf32>
    %reduce_sum3A_493 = vector.multi_reduction <add>, %reshape3A_491, %reduce_sum3A_492 [1] : vector<32x64x128xf32> to vector<32x128xf32>
    %add3A_494 = arith.addf %reduce_sum3A_485, %reduce_sum3A_493 : vector<32x128xf32>
    %add3A_495 = arith.addf %add3A_315, %add3A_494 : vector<32x128xf32>
    %get3A_496 = arith.constant 0 : index
    %get3A_497 = arith.constant 0 : index
    %get3A_498 = vector.load %arg35[%get3A_496, %get3A_497] : memref<128x2xf32, #tpu.memory_space<vmem>>, vector<128x2xf32>
    %dot_general3A_499 = arith.constant dense<0.000000e+00> : vector<32x2xf32>
    %dot_general3A_500 = tpu.matmul %add3A_495, %get3A_498, %dot_general3A_499 {dimension_numbers = #tpu.dot_dimension_numbers<[1], [0], [0], [1], [0, 0, 1, 1], [], []>, transpose_lhs_hint = false} : vector<32x128xf32>, vector<128x2xf32>, vector<32x2xf32> -> vector<32x2xf32>
    %get3A_501 = arith.constant 0 : index
    %get3A_502 = arith.constant 0 : index
    %get3A_503 = vector.load %arg36[%get3A_501, %get3A_502] : memref<1x2xf32, #tpu.memory_space<vmem>>, vector<1x2xf32>
    %add3A_504 = vector.broadcast %get3A_503 : vector<1x2xf32> to vector<32x2xf32>
    %add3A_505 = arith.addf %dot_general3A_500, %add3A_504 : vector<32x2xf32>
    %swap3A = arith.constant 0 : index
    %swap3A_506 = arith.constant 0 : index
    %swap3A_507 = vector.load %arg37[%swap3A, %swap3A_506] : memref<32x2xf32, #tpu.memory_space<vmem>>, vector<32x2xf32>
    tpu.vector_store %arg37[%swap3A, %swap3A_506], %add3A_505 {strides = array<i32>} : memref<32x2xf32, #tpu.memory_space<vmem>>, vector<32x2xf32>,
    return
  }
  func.func @transform_0(%arg0: i32) -> (i32, i32) {
    %c0_i32 = arith.constant 0 : i32
    %c0_i32_0 = arith.constant 0 : i32
    return %arg0, %c0_i32 : i32, i32
  }
  func.func @transform_1(%arg0: i32) -> (i32, i32) {
    %c0_i32 = arith.constant 0 : i32
    %c0_i32_0 = arith.constant 0 : i32
    return %arg0, %c0_i32 : i32, i32
  }
  func.func @transform_2(%arg0: i32) -> (i32, i32) {
    %c0_i32 = arith.constant 0 : i32
    %c0_i32_0 = arith.constant 0 : i32
    return %arg0, %c0_i32 : i32, i32
  }
  func.func @transform_3(%arg0: i32) -> (i32, i32) {
    %c0_i32 = arith.constant 0 : i32
    %c0_i32_0 = arith.constant 0 : i32
    return %arg0, %c0_i32 : i32, i32
  }
  func.func @transform_4(%arg0: i32) -> (i32, i32) {
    %c0_i32 = arith.constant 0 : i32
    %c0_i32_0 = arith.constant 0 : i32
    return %arg0, %c0_i32 : i32, i32
  }
  func.func @transform_5(%arg0: i32) -> (i32, i32) {
    %add3A = arith.constant 8 : i32
    %add3A_0 = arith.addi %arg0, %add3A : i32
    %c0_i32 = arith.constant 0 : i32
    %c0_i32_1 = arith.constant 0 : i32
    return %add3A_0, %c0_i32 : i32, i32
  }
  func.func @transform_6(%arg0: i32) -> (i32, i32) {
    %c0_i32 = arith.constant 0 : i32
    %c0_i32_0 = arith.constant 0 : i32
    %c0_i32_1 = arith.constant 0 : i32
    return %c0_i32, %c0_i32_0 : i32, i32
  }
  func.func @transform_7(%arg0: i32) -> (i32, i32) {
    %c0_i32 = arith.constant 0 : i32
    %c0_i32_0 = arith.constant 0 : i32
    %c0_i32_1 = arith.constant 0 : i32
    return %c0_i32, %c0_i32_0 : i32, i32
  }
  func.func @transform_8(%arg0: i32) -> (i32, i32) {
    %c0_i32 = arith.constant 0 : i32
    %c0_i32_0 = arith.constant 0 : i32
    %c0_i32_1 = arith.constant 0 : i32
    return %c0_i32, %c0_i32_0 : i32, i32
  }
  func.func @transform_9(%arg0: i32) -> (i32, i32) {
    %c0_i32 = arith.constant 0 : i32
    %c0_i32_0 = arith.constant 0 : i32
    %c0_i32_1 = arith.constant 0 : i32
    return %c0_i32, %c0_i32_0 : i32, i32
  }
  func.func @transform_10(%arg0: i32) -> (i32, i32) {
    %c0_i32 = arith.constant 0 : i32
    %c0_i32_0 = arith.constant 0 : i32
    %c0_i32_1 = arith.constant 0 : i32
    return %c0_i32, %c0_i32_0 : i32, i32
  }
  func.func @transform_11(%arg0: i32) -> (i32, i32) {
    %c0_i32 = arith.constant 0 : i32
    %c0_i32_0 = arith.constant 0 : i32
    %c0_i32_1 = arith.constant 0 : i32
    return %c0_i32, %c0_i32_0 : i32, i32
  }
  func.func @transform_12(%arg0: i32) -> (i32, i32) {
    %c0_i32 = arith.constant 0 : i32
    %c0_i32_0 = arith.constant 0 : i32
    %c0_i32_1 = arith.constant 0 : i32
    return %c0_i32, %c0_i32_0 : i32, i32
  }
  func.func @transform_13(%arg0: i32) -> (i32, i32) {
    %c0_i32 = arith.constant 0 : i32
    %c0_i32_0 = arith.constant 0 : i32
    %c0_i32_1 = arith.constant 0 : i32
    return %c0_i32, %c0_i32_0 : i32, i32
  }
  func.func @transform_14(%arg0: i32) -> (i32, i32) {
    %c0_i32 = arith.constant 0 : i32
    %c0_i32_0 = arith.constant 0 : i32
    %c0_i32_1 = arith.constant 0 : i32
    return %c0_i32, %c0_i32_0 : i32, i32
  }
  func.func @transform_15(%arg0: i32) -> (i32, i32) {
    %c0_i32 = arith.constant 0 : i32
    %c0_i32_0 = arith.constant 0 : i32
    %c0_i32_1 = arith.constant 0 : i32
    return %c0_i32, %c0_i32_0 : i32, i32
  }
  func.func @transform_16(%arg0: i32) -> (i32, i32) {
    %c0_i32 = arith.constant 0 : i32
    %c0_i32_0 = arith.constant 0 : i32
    %c0_i32_1 = arith.constant 0 : i32
    return %c0_i32, %c0_i32_0 : i32, i32
  }
  func.func @transform_17(%arg0: i32) -> (i32, i32) {
    %c0_i32 = arith.constant 0 : i32
    %c0_i32_0 = arith.constant 0 : i32
    %c0_i32_1 = arith.constant 0 : i32
    return %c0_i32, %c0_i32_0 : i32, i32
  }
  func.func @transform_18(%arg0: i32) -> (i32, i32) {
    %c0_i32 = arith.constant 0 : i32
    %c0_i32_0 = arith.constant 0 : i32
    %c0_i32_1 = arith.constant 0 : i32
    return %c0_i32, %c0_i32_0 : i32, i32
  }
  func.func @transform_19(%arg0: i32) -> (i32, i32) {
    %c0_i32 = arith.constant 0 : i32
    %c0_i32_0 = arith.constant 0 : i32
    %c0_i32_1 = arith.constant 0 : i32
    return %c0_i32, %c0_i32_0 : i32, i32
  }
  func.func @transform_20(%arg0: i32) -> (i32, i32) {
    %c0_i32 = arith.constant 0 : i32
    %c0_i32_0 = arith.constant 0 : i32
    %c0_i32_1 = arith.constant 0 : i32
    return %c0_i32, %c0_i32_0 : i32, i32
  }
  func.func @transform_21(%arg0: i32) -> (i32, i32) {
    %c0_i32 = arith.constant 0 : i32
    %c0_i32_0 = arith.constant 0 : i32
    %c0_i32_1 = arith.constant 0 : i32
    return %c0_i32, %c0_i32_0 : i32, i32
  }
  func.func @transform_22(%arg0: i32) -> (i32, i32) {
    %c0_i32 = arith.constant 0 : i32
    %c0_i32_0 = arith.constant 0 : i32
    %c0_i32_1 = arith.constant 0 : i32
    return %c0_i32, %c0_i32_0 : i32, i32
  }
  func.func @transform_23(%arg0: i32) -> (i32, i32) {
    %c0_i32 = arith.constant 0 : i32
    %c0_i32_0 = arith.constant 0 : i32
    %c0_i32_1 = arith.constant 0 : i32
    return %c0_i32, %c0_i32_0 : i32, i32
  }
  func.func @transform_24(%arg0: i32) -> (i32, i32) {
    %c0_i32 = arith.constant 0 : i32
    %c0_i32_0 = arith.constant 0 : i32
    %c0_i32_1 = arith.constant 0 : i32
    return %c0_i32, %c0_i32_0 : i32, i32
  }
  func.func @transform_25(%arg0: i32) -> (i32, i32) {
    %c0_i32 = arith.constant 0 : i32
    %c0_i32_0 = arith.constant 0 : i32
    %c0_i32_1 = arith.constant 0 : i32
    return %c0_i32, %c0_i32_0 : i32, i32
  }
  func.func @transform_26(%arg0: i32) -> (i32, i32) {
    %c0_i32 = arith.constant 0 : i32
    %c0_i32_0 = arith.constant 0 : i32
    %c0_i32_1 = arith.constant 0 : i32
    return %c0_i32, %c0_i32_0 : i32, i32
  }
  func.func @transform_27(%arg0: i32) -> (i32, i32) {
    %c0_i32 = arith.constant 0 : i32
    %c0_i32_0 = arith.constant 0 : i32
    %c0_i32_1 = arith.constant 0 : i32
    return %c0_i32, %c0_i32_0 : i32, i32
  }
  func.func @transform_28(%arg0: i32) -> (i32, i32) {
    %c0_i32 = arith.constant 0 : i32
    %c0_i32_0 = arith.constant 0 : i32
    %c0_i32_1 = arith.constant 0 : i32
    return %c0_i32, %c0_i32_0 : i32, i32
  }
  func.func @transform_29(%arg0: i32) -> (i32, i32) {
    %c0_i32 = arith.constant 0 : i32
    %c0_i32_0 = arith.constant 0 : i32
    %c0_i32_1 = arith.constant 0 : i32
    return %c0_i32, %c0_i32_0 : i32, i32
  }
  func.func @transform_30(%arg0: i32) -> (i32, i32) {
    %c0_i32 = arith.constant 0 : i32
    %c0_i32_0 = arith.constant 0 : i32
    %c0_i32_1 = arith.constant 0 : i32
    return %c0_i32, %c0_i32_0 : i32, i32
  }
  func.func @transform_31(%arg0: i32) -> (i32, i32) {
    %c0_i32 = arith.constant 0 : i32
    %c0_i32_0 = arith.constant 0 : i32
    %c0_i32_1 = arith.constant 0 : i32
    return %c0_i32, %c0_i32_0 : i32, i32
  }
  func.func @transform_32(%arg0: i32) -> (i32, i32) {
    %c0_i32 = arith.constant 0 : i32
    %c0_i32_0 = arith.constant 0 : i32
    %c0_i32_1 = arith.constant 0 : i32
    return %c0_i32, %c0_i32_0 : i32, i32
  }
  func.func @transform_33(%arg0: i32) -> (i32, i32) {
    %c0_i32 = arith.constant 0 : i32
    %c0_i32_0 = arith.constant 0 : i32
    %c0_i32_1 = arith.constant 0 : i32
    return %c0_i32, %c0_i32_0 : i32, i32
  }
  func.func @transform_34(%arg0: i32) -> (i32, i32) {
    %c0_i32 = arith.constant 0 : i32
    %c0_i32_0 = arith.constant 0 : i32
    %c0_i32_1 = arith.constant 0 : i32
    return %c0_i32, %c0_i32_0 : i32, i32
  }
  func.func @transform_35(%arg0: i32) -> (i32, i32) {
    %c0_i32 = arith.constant 0 : i32
    %c0_i32_0 = arith.constant 0 : i32
    %c0_i32_1 = arith.constant 0 : i32
    return %c0_i32, %c0_i32_0 : i32, i32
  }
  func.func @transform_36(%arg0: i32) -> (i32, i32) {
    %c0_i32 = arith.constant 0 : i32
    %c0_i32_0 = arith.constant 0 : i32
    return %arg0, %c0_i32 : i32, i32
  }
}

</mosaic_0001>

<sc_bundles>
// kernel: kernel.4.cloned.1.call-start
scs
__scs_entry_jumppad:
0x0: {  	(pc) =	sbr.rel $0x88, $3  }
0x1: {  	(tag) =	ssettag $0x0;
	lr =	simm.s32 $0x1  }
0x2: {  	[smem:$0x3F7C] =	sst lr;
	_ =	strace $0xD0000000  }
0x3: {  	_ = 	snop  }
0x4: {  	_ = 	snop  }
0x5: {  	_ = 	snop  }
0x6: {  	_ = 	snop  }
0x7: {  	_ = 	snop  }
__scs_overlays_trampoline_lowered:
0x8: {  	[smem:$0x3F8B] =	sst s0  }
0x9: {  	[smem:$0x3F8C] =	sst s1  }
0xa: {  	[smem:$0x3F8D] =	sst s2  }
0xb: {  	[smem:$0x3F8E] =	sst s3  }
0xc: {  	[smem:$0x3F8F] =	sst s4  }
0xd: {  	[smem:$0x3F90] =	sst s5  }
0xe: {  	[smem:$0x3F91] =	sst s6  }
0xf: {  	[smem:$0x3F92] =	sst s7  }
0x10: {  	[smem:$0x3F93] =	sst s8  }
0x11: {  	[smem:$0x3F94] =	sst s9;
	s0 =	simm.s32 @!p0 $0x0  }
0x12: {  	s1 =	sld [smem:$0x3F7A];
	s0 =	simm.s32 @p0 $0x1  }
0x13: {  	[smem:$0x3F95] =	sst s0;
	s0 =	simm.s32 @!p1 $0x0  }
0x14: {  	s2 =	sld [smem:$0x3F79];
	s0 =	simm.s32 @p1 $0x1  }
0x15: {  	[smem:$0x3F96] =	sst s0;
	s0 =	simm.s32 @!p2 $0x0  }
0x16: {  	s3 =	sld [smem:$0x3FDB];
	s0 =	simm.s32 @p2 $0x1  }
0x17: {  	s4 =	simm.s32 $0x1BF5;
	[smem:$0x3F98] =	sst s0  }
0x18: {  	s0 =	sld [smem:$0x3F7B];
	_ =	swait.ge [sflag:s4], $0x0  }
0x19: {  	s7 =	sld [smem:$0x3F7C]  }
0x1a: {  	s8 =	sadd.s32 $0xFFFFE003, lr  }
0x1b: {  	s9 =	sadd.s32 $0xFFFFFEF7, lr;
	s5 =	simm.s32 $0xFFFFFFFF;
	p2 =	slt.u32 s8, $0xFFFFF086  }
0x1c: {  	p1 =	slt.u32 s9, $0xF7A;
	s5 =	simm.s32 @!p2 $0x0  }
0x1d: {  	s5 =	simm.s32 @p1 $0x1;
	p0 =	seq.s32 s7, s2  }
0x1e: {  	s7 =	smul.u32 @!p0 $0xF7A, s2;
	p2 =	seq.s32 @!p0 s5, $0x0  }
0x1f: {  	s9 =	smul.u32 $0xF7A, s1;
	s8 =	simm.s32 @!p0 $0x1BF5;
	p2 =	por !p2, p0  }
0x20: {  	[sflag:s8] =	ssyncset.s32 @!p0 $0xFFFFF086;
	s6 =	sadd.s32 @!p0 s3, s7;
	s7 =	simm.s32 @!p0 $0x108  }
0x21: {  	s3 =	sadd.s32 s3, s9;
	s6 =	sadd.s32 @!p0 $0x88, s6;
	s7 =	simm.s32 @p2 $0x1082  }
0x22: {  	[simem:s7], [sflag:s8] =	dma.local @!p0 [hbm:s6], $0xF7A  }
0x23: {  	s9 =	sor.u32 $0xD0000000, s2;
	s6 =	simm.s32 $0x108;
	_ =	swait.ge @!p0 [sflag:s8], $0x0  }
0x24: {  	s3 =	sadd.s32 $0x88, s3;
	s6 =	simm.s32 @!p1 $0x1082;
	[sflag:s4] =	ssyncset.s32 $0xFFFFF086  }
0x25: {  	[simem:s6], [sflag:s4] =	dma.local [hbm:s3], $0xF7A  }
0x26: {  	[smem:$0x3F7C] =	sst s1;
	(tag) =	ssettag s2;
	_ =	strace s9  }
0x27: {  	s1 =	sld [smem:$0x3F8C]  }
0x28: {  	s2 =	sld [smem:$0x3F8D]  }
0x29: {  	s4 =	sld [smem:$0x3F8F]  }
0x2a: {  	p0 =	seq.s32 s5, $0x0;
	s5 =	sld [smem:$0x3F90]  }
0x2b: {  	s6 =	sld [smem:$0x3F91]  }
0x2c: {  	s7 =	sld [smem:$0x3F92]  }
0x2d: {  	s3 =	simm.s32 $0x108;
	s8 =	sld [smem:$0x3F93]  }
0x2e: {  	s3 =	simm.s32 @!p0 $0x1082;
	s9 =	sld [smem:$0x3F94]  }
0x2f: {  	lr =	sadd.s32 s0, s3;
	s0 =	sld [smem:$0x3F8B]  }
0x30: {  	s3 =	sld [smem:$0x3F8E]  }
0x31: {  	[smem:$0x3F97] =	sst s10  }
0x32: {  	s10 =	sld [smem:$0x3F95];
	_ =	sdelay $0x3  }
0x33: {  	p0 =	seq.s32 s10, $0x1;
	s10 =	sld [smem:$0x3F97];
	_ =	sdelay $0x3  }
0x34: {  	[smem:$0x3F97] =	sst s10  }
0x35: {  	s10 =	sld [smem:$0x3F96];
	_ =	sdelay $0x3  }
0x36: {  	p1 =	seq.s32 s10, $0x1;
	s10 =	sld [smem:$0x3F97];
	_ =	sdelay $0x3  }
0x37: {  	[smem:$0x3F97] =	sst s10  }
0x38: {  	s10 =	sld [smem:$0x3F98]  }
0x39: {  	_ = 	snop;
	(pc) =	sbr.ind lr, $3  }
0x3a: {  	_ = 	snop  }
0x3b: {  	_ = 	snop  }
0x3c: {  	p2 =	seq.s32 s10, $0x1;
	s10 =	sld [smem:$0x3F97]  }
0x3d: {  	_ =	shalt  }
0x3e: {  	_ =	shalt  }
0x3f: {  	_ =	shalt  }
0x40: {  	_ =	shalt  }
0x41: {  	_ =	shalt  }
0x42: {  	_ =	shalt  }
0x43: {  	_ =	shalt  }
0x44: {  	_ =	shalt  }
0x45: {  	_ =	shalt  }
0x46: {  	_ =	shalt  }
0x47: {  	_ =	shalt  }
0x48: {  	_ =	shalt  }
0x49: {  	_ =	shalt  }
0x4a: {  	_ =	shalt  }
0x4b: {  	_ =	shalt  }
0x4c: {  	_ =	shalt  }
0x4d: {  	_ =	shalt  }
0x4e: {  	_ =	shalt  }
0x4f: {  	_ =	shalt  }
0x50: {  	_ =	shalt  }
0x51: {  	_ =	shalt  }
0x52: {  	_ =	shalt  }
0x53: {  	_ =	shalt  }
0x54: {  	_ =	shalt  }
0x55: {  	_ =	shalt  }
0x56: {  	_ =	shalt  }
0x57: {  	_ =	shalt  }
0x58: {  	_ =	shalt  }
0x59: {  	_ =	shalt  }
0x5a: {  	_ =	shalt  }
0x5b: {  	_ =	shalt  }
0x5c: {  	_ =	shalt  }
0x5d: {  	_ =	shalt  }
0x5e: {  	_ =	shalt  }
0x5f: {  	_ =	shalt  }
0x60: {  	_ =	shalt  }
0x61: {  	_ =	shalt  }
0x62: {  	_ =	shalt  }
0x63: {  	_ =	shalt  }
0x64: {  	_ =	shalt  }
0x65: {  	_ =	shalt  }
0x66: {  	_ =	shalt  }
0x67: {  	_ =	shalt  }
0x68: {  	_ =	shalt  }
0x69: {  	_ =	shalt  }
0x6a: {  	_ =	shalt  }
0x6b: {  	_ =	shalt  }
0x6c: {  	_ =	shalt  }
0x6d: {  	_ =	shalt  }
0x6e: {  	_ =	shalt  }
0x6f: {  	_ =	shalt  }
0x70: {  	_ =	shalt  }
0x71: {  	_ =	shalt  }
0x72: {  	_ =	shalt  }
0x73: {  	_ =	shalt  }
0x74: {  	_ =	shalt  }
0x75: {  	_ =	shalt  }
0x76: {  	_ =	shalt  }
0x77: {  	_ =	shalt  }
0x78: {  	_ =	shalt  }
0x79: {  	_ =	shalt  }
0x7a: {  	_ =	shalt  }
0x7b: {  	_ =	shalt  }
0x7c: {  	_ =	shalt  }
0x7d: {  	_ =	shalt  }
0x7e: {  	_ =	shalt  }
0x7f: {  	_ =	shalt  }
0x80: {  	_ =	shalt  }
0x81: {  	_ =	shalt  }
0x82: {  	_ =	shalt  }
0x83: {  	_ =	shalt  }
0x84: {  	_ =	shalt  }
0x85: {  	_ =	shalt  }
0x86: {  	_ =	shalt  }
0x87: {  	_ =	shalt  }
.Lfunc_end0:
.L_simem_size_0:
called_computation_lowered:
.L_overlay_start_0:
0x88: {  	s2 =	sld [smem:$0x3FD9]  }
0x89: {  	s3 =	sld [smem:$0x3FFE];
	_ =	sdelay $0x1  }
0x8a: {  	s1 =	srdreg.scid  }
0x8b: {  	s0 =	sand.u32 $0x1, s1  }
0x8c: {  	s16 =	sshll.u32 s0, $0xA;
	s2 =	sadd.s32 s3, s2  }
0x8d: {  	s2 =	sadd.s32 s2, s16  }
0x8e: {  	[smem:$0x3FA3] =	sst s2  }
0x8f: {  	_ = 	snop  }
0x90: {  	(tm) =	ssettm $0x1  }
0x91: {  	s17 =	sld [smem:$0x3FFB];
	_ =	sdelay $0x3  }
0x92: {  	_ =	strace s17  }
0x93: {  	s2 =	sld [smem:$0x3FFC];
	_ =	sdelay $0x3  }
0x94: {  	_ =	strace s2  }
0x95: {  	s2 =	sld [smem:$0x3FFD];
	_ =	sdelay $0x3  }
0x96: {  	_ =	strace s2  }
0x97: {  	_ =	strace $0x8FFFFFFF  }
0x98: {  	s18 =	sld [smem:$0x3FDB];
	_ =	sdelay $0x1  }
0x99: {  	s19 =	simm.s32 $_scs_section_size  }
0x9a: {  	s4 =	simm.s32 $_size__tile_overlayer_lowered;
	s5 =	simm.s32 $_tile_overlayer_lowered  }
0x9b: {  	s22 =	simm.s32 $0x1BFF;
	s21 =	sshll.u32 s5, $0x1;
	s2 =	sadd.s32 s19, s18  }
0x9c: {  	s6 =	simm.s32 $0x0;
	s20 =	sshll.u32 s4, $0x1;
	s4 =	sadd.s32 s21, s2  }
0x9d: {  	[timem:s6], [sflag:s22] =	dma.local [hbm:s4], s20  }
0x9e: {  	_ =	swait.ge [sflag:s22], s20  }
0x9f: {  	s3 =	ssub.s32 $0x0, s20;
	[sflag:s22] =	ssyncset.done $0x0  }
0xa0: {  	[sflag:s22] =	ssyncadd.s32 s3;
	_ =	sdelay $0x1  }
0xa1: {  	s23 =	simm.s32 $0x1B8B  }
0xa2: {  	_ =	swait.ge [sflag:s23], $0x1  }
0xa3: {  	[sflag:s23] =	ssyncset.done $0x0  }
0xa4: {  	s25 =	simm.s32 $0x1B8E;
	s24 =	sld [smem:$0x3FFE];
	[sflag:s23] =	ssyncadd.s32 $0xFFFFFFFF  }
0xa5: {  	s26 =	simm.s32 $execute0_lowered;
	[smem:$0x3FD2] =	sst s25  }
0xa6: {  	s4 =	sshll.u32 s26, $0x1;
	_ =	strace $0x80000046;
	[dreg:$0x1] =	wrdreg $0xFFFFFFFF  }
0xa7: {  	s28 =	simm.s32 $_size_execute0_lowered;
	s2 =	sadd.s32 s2, s4;
	[dreg:$0x0] =	wrdreg $0x0  }
0xa8: {  	s4 =	sshll.u32 s28, $0x1;
	[dreg:$0x2] =	wrdreg s2  }
0xa9: {  	[dreg:$0x3] =	wrdreg s4  }
0xaa: {  	[dreg:$0x4] =	wrdreg $0xC0  }
0xab: {  	_ =	task [dreg:s6], $0x5FFFF  }
0xac: {  	[dreg:$0x1] =	wrdreg $0xFFFFFFFF  }
0xad: {  	[dreg:$0x0] =	wrdreg $0x60  }
0xae: {  	[dreg:$0x2] =	wrdreg s24  }
0xaf: {  	[dreg:$0x3] =	wrdreg $0x9  }
0xb0: {  	_ =	task.clear_ibuf [dreg:s6], $0x4FFFF;
	_ =	strace $0x90000046  }
0xb1: {  	s29 =	simm.s32 $0x9;
	_ =	strace $0x80000048  }
0xb2: {  	_ =	swait.ge [sflag:s29], $0x1  }
0xb3: {  	[sflag:s29] =	ssyncadd.s32 $0xFFFFFFFF  }
0xb4: {  	_ =	strace $0x90000048  }
0xb5: {  	_ =	sfence  }
0xb6: {  	s30 =	sld [smem:$0x0];
	_ =	sdelay $0x2  }
0xb7: {  	s31 =	sshll.u32 s1, $0xD;
	s1 =	sshrl.u32 s1, $0x2  }
0xb8: {  	s3 =	sand.u32 $0x4000, s31;
	s1 =	sadd.s32 s1, s30  }
0xb9: {  	s0 =	sor.u32 s3, s0;
	s1 =	sshll.u32 s1, $0x11  }
0xba: {  	s0 =	sor.u32 s1, s0  }
0xbb: {  	s0 =	sadd.s32 $0x8F2B, s0  }
0xbc: {  	[sflag:s0] =	ssyncadd.remote.s32 $0x1  }
0xbd: {  	_ =	sfence.sel $0xFFFF  }
0xbe: {  	[dreg:$0x0] =	wrdreg $0xFFFFFFFF;
	(pc) =	sbr.abs _section_cstart, $3  }
0xbf: {  	[dreg:$0x1] =	wrdreg $0xFFFFFFFF  }
0xc0: {  	_ =	task.clear_ibuf [dreg:s6], $0x2FFFF;
	_ =	strace $0x9FFFFFFF  }
0xc1: {  	(tm) =	ssettm $0x7FFFFFFF  }
tec
execute0_lowered:
.L_overlay_start_1:
0x0: {  	(tag) =	ssettag $0x1  }
0x1: {  	s1 =	srdreg.scid  }
0x2: {  	s0 =	stileid.u32;
	s10 =	sand.u32 $0x1, s1  }
0x3: {  	s8 =	rddreg [dreg:$0x0];
	s3 =	sshll.u32 s0, $0xB;
	s4 =	sshll.u32 s10, $0xA  }
0x4: {  	s2 =	simm.s32 $0x0;
	s1 =	rddreg [dreg:$0x1];
	s9 =	sor.u32 s4, s3  }
0x5: {  	[smem:$0x7FF] =	sst s2;
	s11 =	sadd.s32 $0x3600, s8;
	s3 =	sshrl.u32 s9, $0x3  }
0x6: {  	_ =	strace $0x80000047;
	s4 =	sadd.s32 s11, s3;
	s3 =	simm.s32 $0x2  }
0x7: {  	[tilespmem:s2], [sflag:$0x2] =	stream.linear.gather [hbm4b:s4+s2], $0x200, $0x38;
	[tilespmem:$0x10200] =	vst v63  }
0x8: {  	_ =	swait.ge [sflag:s3], $0x200  }
0x9: {  	s6 =	simm.s32 $0x200;
	[sflag:s3] =	ssyncset.done $0x0  }
0xa: {  	s7 =	simm.s32 $0x1;
	s5 =	sadd.s32 $0x4600, s8;
	[sflag:s3] =	ssyncadd.s32 $0xFFFFFE00  }
0xb: {  	[tilespmem:s6], [sflag:$0x1] =	stream.indirect.gather [hbm4b:s5+s6], $0x80, s2, s6, $0xb8;
	[tilespmem:$0x10200] =	vst v63  }
0xc: {  	_ =	swait.ge [sflag:s7], $0x10000  }
0xd: {  	s12 =	sadd.s32 $0x5000, s8;
	s29 =	sshll.u32 s9, $0x4;
	[sflag:s7] =	ssyncset.done $0x0  }
0xe: {  	s8 =	sadd.s32 s12, s29;
	[sflag:s7] =	ssyncadd.s32 $0xFFFF0000  }
0xf: {  	[hbm4b:s8+s2] =	stream.linear.scatter [tilespmem:s6], [sflag:$0x2], $0x10000, $0x38;
	[tilespmem:$0x10200] =	vst v63  }
0x10: {  	s13 =	sor.u32 $0x200, s9;
	_ =	swait.ge [sflag:s3], $0x10000  }
0x11: {  	s9 =	sshrl.u32 s13, $0x3;
	[sflag:s3] =	ssyncset.done $0x0  }
0x12: {  	s10 =	ssub.s32 $0x2, s10;
	s9 =	sadd.s32 s11, s9;
	[sflag:s3] =	ssyncadd.s32 $0xFFFF0000  }
0x13: {  	[tilespmem:s2], [sflag:$0x2] =	stream.linear.gather [hbm4b:s9+s2], $0x200, $0x38;
	[tilespmem:$0x10200] =	vst v63  }
0x14: {  	s30 =	sshrl.u32 s10, $0x1;
	_ =	swait.ge [sflag:s3], $0x200  }
0x15: {  	s11 =	ssub.s32 s10, s30;
	[sflag:s3] =	ssyncset.done $0x0  }
0x16: {  	s11 =	smax.u32 s11, $0x1;
	[sflag:s3] =	ssyncadd.s32 $0xFFFFFE00  }
0x17: {  	[tilespmem:s6], [sflag:$0x1] =	stream.indirect.gather [hbm4b:s5+s6], $0x80, s2, s6, $0xb8;
	[tilespmem:$0x10200] =	vst v63  }
0x18: {  	p0 =	sne.s32 s11, $0x1;
	_ =	swait.ge [sflag:s7], $0x10000  }
.Ltmp0:
0x19: {  	s31 =	sshll.u32 s13, $0x4;
	[sflag:s7] =	ssyncset.done $0x0;
	(pc) =	sbr.rel @!p0 .LBB2_2-.Ltmp0, $4  }
0x1a: {  	s10 =	sadd.s32 s12, s31;
	[sflag:s7] =	ssyncadd.s32 $0xFFFF0000  }
0x1b: {  	[hbm4b:s10+s2] =	stream.linear.scatter [tilespmem:s6], [sflag:$0x2], $0x10000, $0x38;
	[tilespmem:$0x10200] =	vst v63  }
0x1c: {  	_ =	swait.ge [sflag:s3], $0x10000  }
0x1d: {  	s11 =	sadd.s32 $0xFFFFFFFF, s11;
	[sflag:s3] =	ssyncset.done $0x0  }
.LBB2_1:
0x1e: {  	p0 =	sne.s32 s11, $0x1;
	s11 =	sadd.s32 $0xFFFFFFFF, s11;
	[sflag:s3] =	ssyncadd.s32 $0xFFFF0000  }
0x1f: {  	[tilespmem:s2], [sflag:$0x2] =	stream.linear.gather [hbm4b:s4+s2], $0x200, $0x38;
	[tilespmem:$0x10200] =	vst v63  }
0x20: {  	_ =	swait.ge [sflag:s3], $0x200  }
0x21: {  	[sflag:s3] =	ssyncset.done $0x0  }
0x22: {  	[sflag:s3] =	ssyncadd.s32 $0xFFFFFE00  }
0x23: {  	[tilespmem:s6], [sflag:$0x1] =	stream.indirect.gather [hbm4b:s5+s6], $0x80, s2, s6, $0xb8;
	[tilespmem:$0x10200] =	vst v63  }
0x24: {  	_ =	swait.ge [sflag:s7], $0x10000  }
0x25: {  	[sflag:s7] =	ssyncset.done $0x0  }
0x26: {  	[sflag:s7] =	ssyncadd.s32 $0xFFFF0000  }
0x27: {  	[hbm4b:s8+s2] =	stream.linear.scatter [tilespmem:s6], [sflag:$0x2], $0x10000, $0x38;
	[tilespmem:$0x10200] =	vst v63  }
0x28: {  	_ =	swait.ge [sflag:s3], $0x10000  }
0x29: {  	[sflag:s3] =	ssyncset.done $0x0  }
0x2a: {  	[sflag:s3] =	ssyncadd.s32 $0xFFFF0000  }
0x2b: {  	[tilespmem:s2], [sflag:$0x2] =	stream.linear.gather [hbm4b:s9+s2], $0x200, $0x38;
	[tilespmem:$0x10200] =	vst v63  }
0x2c: {  	_ =	swait.ge [sflag:s3], $0x200  }
0x2d: {  	[sflag:s3] =	ssyncset.done $0x0  }
0x2e: {  	[sflag:s3] =	ssyncadd.s32 $0xFFFFFE00  }
0x2f: {  	[tilespmem:s6], [sflag:$0x1] =	stream.indirect.gather [hbm4b:s5+s6], $0x80, s2, s6, $0xb8;
	[tilespmem:$0x10200] =	vst v63  }
0x30: {  	_ =	swait.ge [sflag:s7], $0x10000  }
.Ltmp1:
0x31: {  	[sflag:s7] =	ssyncset.done $0x0;
	(pc) =	sbr.rel @p0 .LBB2_1-.Ltmp1, $4  }
0x32: {  	[sflag:s7] =	ssyncadd.s32 $0xFFFF0000  }
0x33: {  	[hbm4b:s10+s2] =	stream.linear.scatter [tilespmem:s6], [sflag:$0x2], $0x10000, $0x38;
	[tilespmem:$0x10200] =	vst v63  }
0x34: {  	_ =	swait.ge [sflag:s3], $0x10000  }
0x35: {  	[sflag:s3] =	ssyncset.done $0x0  }
.LBB2_2:
0x36: {  	[sflag:s3] =	ssyncadd.s32 $0xFFFF0000  }
0x37: {  	_ =	sfence.sel $0x180000  }
0x38: {  	[bflag:$0x0] =	sbarrier.arrive $0xFFFF  }
0x39: {  	p0 =	sne.s32 s0, $0x0;
	_ =	strace $0x90000047  }
0x3a: {  	s0 =	sadd.s32 @!p0 $0x100000, s1;
	[bflag:$0x2] =	sbarrier.arrive $0xFFFF  }
0x3b: {  	[sflag:s0] =	ssyncadd.tile.s32 @!p0 $0x1;
	_ =	shalt  }
.Lfunc_end2:
_tile_overlayer_lowered:
.L_overlay_start_2:
0x3c: {  	(tag) =	ssettag $0x2  }
0x3d: {  	s0 =	rddreg [dreg:$0x0];
	s2 =	stileid.u32  }
0x3e: {  	s1 =	rddreg [dreg:$0x1];
	p0 =	sne.s32 s2, $0x0  }
0x3f: {  	s3 =	rddreg [dreg:$0x2];
	[bflag:$0x3] =	sbarrier.arrive $0xFFFF;
	s2 =	simm.s32 @!p0 $0x1C02  }
0x40: {  	[timem:s3], [sflag:s2] =	dma.local @!p0 [hbm:s0], s1  }
0x41: {  	s0 =	simm.s32 @!p0 $0x2  }
0x42: {  	_ =	swait.ge @!p0 [sflag:s0], s1  }
0x43: {  	s1 =	ssub.s32 @!p0 $0x0, s1;
	[sflag:s0] =	ssyncset.done @!p0 $0x0  }
0x44: {  	[sflag:s0] =	ssyncadd.s32 @!p0 s1  }
0x45: {  	[bflag:$0x3] =	sbarrier.arrive $0xFFFF  }
0x46: {  	_ =	shalt  }

</sc_bundles>
